<compile_context>
chip_gen: v7x
topology: tpu7x:2x2x1
jax: 0.10.2.dev20260603
libtpu: 0.0.44.dev20260713+nightly
codegen_flags: <defaults>
</compile_context>

<pallas_src>
import functools

import jax
import jax.numpy as jnp
from jax import lax
from jax.experimental import pallas as pl
from jax.experimental.pallas import tpu as pltpu
from jax.experimental.pallas import tpu_sc as plsc

N = 10000
E = 320000
NC = 2
NS = 16
NW = NC * NS
CHUNK = 128
E_TOT = E + N
K = 84
NB = 3
BLK = 28
E_PAD = NW * K * CHUNK
NROWS = 10112
R = NROWS // NS

CA = 96
KA = 108
NBA = 3
BLKA = 36
E_PAD_A = NW * KA * CA


def _sc_mesh():
    return plsc.VectorSubcoreMesh(core_axis_name="c", subcore_axis_name="s")


def _deg_sc(dst3, ones, zcol):

    @functools.partial(
        pl.kernel,
        out_type=jax.ShapeDtypeStruct((NC * NROWS, 1), jnp.float32),
        mesh=_sc_mesh(),
        scratch_types=[
            pltpu.VMEM((K, CHUNK), jnp.int32),
            pltpu.VMEM((CHUNK, 1), jnp.float32),
            pltpu.VMEM_SHARED((NROWS, 1), jnp.float32),
            pltpu.SemaphoreType.DMA,
        ],
    )
    def k(dst_hbm, ones_hbm, z_hbm, out_hbm, dst_v, ones_v, acc, sem):
        c = lax.axis_index("c")
        s = lax.axis_index("s")
        w = c * NS + s
        pltpu.sync_copy(dst_hbm.at[w], dst_v)
        pltpu.sync_copy(ones_hbm, ones_v)

        @pl.when(s == 0)
        def _():
            pltpu.sync_copy(z_hbm, acc)

        plsc.subcore_barrier()

        def body(j, carry):
            pltpu.async_copy(ones_v, acc.at[dst_v.at[j]], sem, add=True)

            @pl.when(j > 2)
            def _():
                pltpu.make_async_copy(ones_v, acc.at[dst_v.at[j - 3]], sem).wait()

            return carry

        lax.fori_loop(0, K, body, 0)

        def drain(j, carry):
            pltpu.make_async_copy(ones_v, acc.at[dst_v.at[j]], sem).wait()
            return carry

        lax.fori_loop(K - 3, K, drain, 0)
        plsc.subcore_barrier()

        @pl.when(s == 0)
        def _():
            pltpu.sync_copy(acc, out_hbm.at[pl.ds(c * NROWS, NROWS)])

    return k(dst3, ones, zcol)


def _agg_sc(g, src4, dst4, zrows, ch):

    @functools.partial(
        pl.kernel,
        out_type=jax.ShapeDtypeStruct((NC * NROWS, ch), jnp.float32),
        mesh=_sc_mesh(),
        scratch_types=[
            pltpu.VMEM((BLKA, CA), jnp.int32),
            pltpu.VMEM((BLKA, CA), jnp.int32),
            pltpu.VMEM((CA, ch), jnp.float32),
            pltpu.VMEM((CA, ch), jnp.float32),
            pltpu.VMEM((CA, ch), jnp.float32),
            pltpu.VMEM_SHARED((NROWS, ch), jnp.float32),
            pltpu.SemaphoreType.DMA,
            pltpu.SemaphoreType.DMA,
            pltpu.SemaphoreType.DMA,
        ],
    )
    def k(g_hbm, src_hbm, dst_hbm, z_hbm, out_hbm,
          src_v, dst_v, rows0, rows1, rows2, acc, sem0, sem1, sem2):
        c = lax.axis_index("c")
        s = lax.axis_index("s")
        w = c * NS + s
        pltpu.sync_copy(z_hbm.at[pl.ds(s * R, R)], acc.at[pl.ds(s * R, R)])
        plsc.subcore_barrier()

        bufs = ((rows0, sem0), (rows1, sem1), (rows2, sem2))

        def block(b, carry):
            pltpu.sync_copy(src_hbm.at[w * NBA + b], src_v)
            pltpu.sync_copy(dst_hbm.at[w * NBA + b], dst_v)
            for t, (rv, sm) in enumerate(bufs):
                pltpu.async_copy(g_hbm.at[src_v.at[t]], rv, sm)

            def body(jj, carry2):
                j0 = 3 * jj
                for t, (rv, sm) in enumerate(bufs):
                    pltpu.make_async_copy(g_hbm.at[src_v.at[j0 + t]], rv, sm).wait()
                    pltpu.sync_copy(rv, acc.at[dst_v.at[j0 + t]], add=True)

                    @pl.when(jj < BLKA // 3 - 1)
                    def _():
                        pltpu.async_copy(g_hbm.at[src_v.at[j0 + t + 3]], rv, sm)

                return carry2

            lax.fori_loop(0, BLKA // 3, body, 0)
            return carry

        lax.fori_loop(0, NBA, block, 0)
        plsc.subcore_barrier()
        pltpu.sync_copy(acc.at[pl.ds(s * R, R)],
                        out_hbm.at[pl.ds(c * NROWS + s * R, R)])

    return k(g, src4, dst4, zrows)


def _tc1(x, w1, degs):

    def body(x_ref, w_ref, deg_ref, g_ref, dinv_ref):
        deg = deg_ref[0:NROWS] + deg_ref[NROWS:2 * NROWS]
        dinv = lax.rsqrt(deg)
        dinv_ref[...] = dinv
        h = jnp.dot(x_ref[...], w_ref[...], preferred_element_type=jnp.float32)
        g_ref[0:N, :] = h * dinv[0:N]
        g_ref[N:NROWS, :] = jnp.zeros((NROWS - N, w_ref.shape[1]), jnp.float32)

    return pl.pallas_call(
        body,
        out_shape=(
            jax.ShapeDtypeStruct((NROWS, 128), jnp.float32),
            jax.ShapeDtypeStruct((NROWS, 1), jnp.float32),
        ),
    )(x, w1, degs)


def _tc2(p, dinv, w2, b1):

    def body(p_ref, dinv_ref, w_ref, b_ref, g_ref):
        agg = p_ref[0:N] + p_ref[NROWS:NROWS + N]
        din = dinv_ref[0:N]
        h1 = jnp.maximum(agg * din + b_ref[...], 0.0)
        g2 = jnp.dot(h1, w_ref[...], preferred_element_type=jnp.float32)
        g_ref[0:N, 0:64] = g2 * din
        g_ref[0:N, 64:128] = jnp.zeros((N, 64), jnp.float32)
        g_ref[N:NROWS, :] = jnp.zeros((NROWS - N, 128), jnp.float32)

    return pl.pallas_call(
        body,
        out_shape=jax.ShapeDtypeStruct((NROWS, 128), jnp.float32),
    )(p, dinv, w2, b1)


def _tc3(q, dinv, b2, ch):

    def body(q_ref, dinv_ref, b_ref, out_ref):
        agg = q_ref[0:N, 0:ch] + q_ref[NROWS:NROWS + N, 0:ch]
        out_ref[...] = jnp.maximum(agg * dinv_ref[0:N] + b_ref[...], 0.0)

    return pl.pallas_call(
        body,
        out_shape=jax.ShapeDtypeStruct((N, ch), jnp.float32),
    )(q, dinv, b2)


def kernel(x, edge_index, W1, b1, W2, b2):
    loop = jnp.arange(N, dtype=jnp.int32)
    src = jnp.concatenate([edge_index[0].astype(jnp.int32), loop])
    dst = jnp.concatenate([edge_index[1].astype(jnp.int32), loop])
    pad = N + jnp.arange(E_PAD - E_TOT, dtype=jnp.int32) % (NROWS - N)
    dst3 = jnp.concatenate([dst, pad]).reshape(NW, K, CHUNK)
    pad_a = N + jnp.arange(E_PAD_A - E_TOT, dtype=jnp.int32) % (NROWS - N)
    src4 = jnp.concatenate([src, pad_a]).reshape(NW * NBA, BLKA, CA)
    dst4 = jnp.concatenate([dst, pad_a]).reshape(NW * NBA, BLKA, CA)

    ones = jnp.ones((CHUNK, 1), jnp.float32)
    zcol = jnp.zeros((NROWS, 1), jnp.float32)
    z128 = jnp.zeros((NROWS, 128), jnp.float32)

    degs = _deg_sc(dst3, ones, zcol)
    g1, dinv = _tc1(x, W1, degs)
    p = _agg_sc(g1, src4, dst4, z128, 128)
    g2 = _tc2(p, dinv, W2, b1.reshape(1, 128))
    q = _agg_sc(g2, src4, dst4, z128, 128)
    return _tc3(q, dinv, b2.reshape(1, 64), 64)

# --- scband reference (transcript-rebuilt; emitter-appended) ---
"""Pipeline reference for scband-encoder-77043123356186 (READ-ONLY COPY).

The authoritative reference and input builder live on the scoring server;
editing this copy changes nothing except your own understanding.
"""

import jax, jax.numpy as jnp
import numpy as np

N_NODES = 10000
N_EDGES = 320000
IN_CH = 128
HID_CH = 128
LAT = 64

def setup_inputs(seed: int = 0) -> dict:
    key = jax.random.key(seed)
    k1, k2, k3, k4, k5, k6 = jax.random.split(key, 6)
    x = jax.random.normal(k1, (N_NODES, IN_CH), dtype=jnp.float32)
    edge_index = jax.random.randint(k2, (2, N_EDGES), 0, N_NODES, dtype=jnp.int64)
    s1 = 1.0 / np.sqrt(IN_CH)
    s2 = 1.0 / np.sqrt(HID_CH)
    W1 = jax.random.uniform(k3, (IN_CH, HID_CH), jnp.float32, -s1, s1)
    b1 = jax.random.uniform(k4, (HID_CH,), jnp.float32, -s1, s1)
    W2 = jax.random.uniform(k5, (HID_CH, LAT), jnp.float32, -s2, s2)
    b2 = jax.random.uniform(k6, (LAT,), jnp.float32, -s2, s2)
    return {"x": x, "edge_index": edge_index, "W1": W1, "b1": b1, "W2": W2, "b2": b2}


def gcn_conv(x, edge_index, W, b, num_nodes):
    # PyG GCNConv: add self-loops, symmetric normalization D^{-1/2}(A+I)D^{-1/2} X W + b
    loop = jnp.arange(num_nodes, dtype=edge_index.dtype)
    src = jnp.concatenate([edge_index[0], loop])
    dst = jnp.concatenate([edge_index[1], loop])
    deg = jnp.zeros((num_nodes,), jnp.float32).at[dst].add(1.0)
    dinv = jnp.where(deg > 0, 1.0 / jnp.sqrt(deg), 0.0)
    norm = dinv[src] * dinv[dst]
    h = x @ W
    msg = h[src] * norm[:, None]
    out = jnp.zeros((num_nodes, W.shape[1]), jnp.float32).at[dst].add(msg)
    return out + b


def reference(x, edge_index, W1, b1, W2, b2):
    n = x.shape[0]
    h = jax.nn.relu(gcn_conv(x, edge_index, W1, b1, n))
    h = jax.nn.relu(gcn_conv(h, edge_index, W2, b2, n))
    return h

if __name__ == "__main__":
    import jax
    _d = setup_inputs()
    print(jax.jit(kernel)(*tuple(_d.values())))

</pallas_src>

<mosaic_0001>
#map = affine_map<(d0, d1) -> (0, 0, 0)>
#map1 = affine_map<(d0, d1) -> (0, 0)>
module attributes {stable_mosaic.version = 14 : i64} {
  func.func @k(%arg0: i32, %arg1: i32, %arg2: memref<32x84x128xi32, #tpu.memory_space<hbm>>, %arg3: memref<128x1xf32, #tpu.memory_space<hbm>>, %arg4: memref<10112x1xf32, #tpu.memory_space<hbm>>, %arg5: memref<20224x1xf32, #tpu.memory_space<hbm>>, %arg6: memref<84x128xi32, #tpu.memory_space<vmem>>, %arg7: memref<128x1xf32, #tpu.memory_space<vmem>>, %arg8: memref<10112x1xf32, #tpu.memory_space<vmem_shared>>, %arg9: memref<!tpu.dma_semaphore, #tpu.memory_space<semaphore_mem>>) attributes {dimension_semantics = [#tpu.dimension_semantics<core_parallel>, #tpu.dimension_semantics<subcore_parallel>], iteration_bounds = array<i64: 2, 16>, scalar_prefetch = 0 : i64, scratch_operands = 4 : i64, tpu.core_type = #tpu.core_type<sc_vector_subcore>, window_params = [{transform_indices = #map}, {transform_indices = #map1}, {transform_indices = #map1}, {transform_indices = #map1}]} {
    %mul3A = arith.constant 16 : i32
    %mul3A_0 = arith.muli %arg0, %mul3A : i32
    %add3A = arith.addi %mul3A_0, %arg1 : i32
    "tpu.region"() ({
      %run_scoped3A = tpu.sem_alloc : memref<!tpu.dma_semaphore, #tpu.memory_space<semaphore_mem>>
      %dma_start3A = arith.constant 0 : i32
      %dma_start3A_20 = arith.constant 0 : i32
      %dma_start3A_21 = tpu.memref_slice %arg2[%add3A, %dma_start3A, %dma_start3A_20] : memref<32x84x128xi32, #tpu.memory_space<hbm>> -> memref<1x84x128xi32, #tpu.memory_space<hbm>>
      %dma_start3A_22 = tpu.memref_squeeze %dma_start3A_21 : memref<1x84x128xi32, #tpu.memory_space<hbm>> -> memref<84x128xi32, #tpu.memory_space<hbm>>
      %dma_start3A_23 = arith.constant 0 : i32
      %dma_start3A_24 = arith.constant 0 : i32
      %dma_start3A_25 = tpu.memref_slice %arg2[%add3A, %dma_start3A_23, %dma_start3A_24] : memref<32x84x128xi32, #tpu.memory_space<hbm>> -> memref<1x84x128xi32, #tpu.memory_space<hbm>>
      %dma_start3A_26 = tpu.memref_squeeze %dma_start3A_25 : memref<1x84x128xi32, #tpu.memory_space<hbm>> -> memref<84x128xi32, #tpu.memory_space<hbm>>
      tpu.enqueue_dma source(%dma_start3A_26 : memref<84x128xi32, #tpu.memory_space<hbm>>) target(%arg6 : memref<84x128xi32, #tpu.memory_space<vmem>>) target_semaphore(%run_scoped3A : memref<!tpu.dma_semaphore, #tpu.memory_space<semaphore_mem>>)
      %dma_wait3A = arith.constant 0 : i32
      %dma_wait3A_27 = arith.constant 0 : i32
      %dma_wait3A_28 = tpu.memref_slice %arg2[%add3A, %dma_wait3A, %dma_wait3A_27] : memref<32x84x128xi32, #tpu.memory_space<hbm>> -> memref<1x84x128xi32, #tpu.memory_space<hbm>>
      %dma_wait3A_29 = tpu.memref_squeeze %dma_wait3A_28 : memref<1x84x128xi32, #tpu.memory_space<hbm>> -> memref<84x128xi32, #tpu.memory_space<hbm>>
      %dma_wait3A_30 = arith.constant 0 : i32
      %dma_wait3A_31 = arith.constant 0 : i32
      %dma_wait3A_32 = tpu.memref_slice %arg2[%add3A, %dma_wait3A_30, %dma_wait3A_31] : memref<32x84x128xi32, #tpu.memory_space<hbm>> -> memref<1x84x128xi32, #tpu.memory_space<hbm>>
      %dma_wait3A_33 = tpu.memref_squeeze %dma_wait3A_32 : memref<1x84x128xi32, #tpu.memory_space<hbm>> -> memref<84x128xi32, #tpu.memory_space<hbm>>
      tpu.wait_dma2 semaphore(%run_scoped3A : memref<!tpu.dma_semaphore, #tpu.memory_space<semaphore_mem>>) src(%dma_wait3A_33 : memref<84x128xi32, #tpu.memory_space<hbm>>) dst(%arg6 : memref<84x128xi32, #tpu.memory_space<vmem>>)
      tpu.yield
    }) : () -> ()
    "tpu.region"() ({
      %run_scoped3A = tpu.sem_alloc : memref<!tpu.dma_semaphore, #tpu.memory_space<semaphore_mem>>
      tpu.enqueue_dma source(%arg3 : memref<128x1xf32, #tpu.memory_space<hbm>>) target(%arg7 : memref<128x1xf32, #tpu.memory_space<vmem>>) target_semaphore(%run_scoped3A : memref<!tpu.dma_semaphore, #tpu.memory_space<semaphore_mem>>)
      tpu.wait_dma2 semaphore(%run_scoped3A : memref<!tpu.dma_semaphore, #tpu.memory_space<semaphore_mem>>) src(%arg3 : memref<128x1xf32, #tpu.memory_space<hbm>>) dst(%arg7 : memref<128x1xf32, #tpu.memory_space<vmem>>)
      tpu.yield
    }) : () -> ()
    %eq3A = arith.constant 0 : i32
    %eq3A_1 = arith.cmpi eq, %arg1, %eq3A : i32
    %convert_element_type3A = arith.extui %eq3A_1 : i1 to i32
    %cond3A = arith.constant 0 : i32
    %cond3A_2 = arith.cmpi ne, %convert_element_type3A, %cond3A : i32
    scf.if %cond3A_2 {
      "tpu.region"() ({
        %run_scoped3A = tpu.sem_alloc : memref<!tpu.dma_semaphore, #tpu.memory_space<semaphore_mem>>
        tpu.enqueue_dma source(%arg4 : memref<10112x1xf32, #tpu.memory_space<hbm>>) target(%arg8 : memref<10112x1xf32, #tpu.memory_space<vmem_shared>>) target_semaphore(%run_scoped3A : memref<!tpu.dma_semaphore, #tpu.memory_space<semaphore_mem>>)
        tpu.wait_dma2 semaphore(%run_scoped3A : memref<!tpu.dma_semaphore, #tpu.memory_space<semaphore_mem>>) src(%arg4 : memref<10112x1xf32, #tpu.memory_space<hbm>>) dst(%arg8 : memref<10112x1xf32, #tpu.memory_space<vmem_shared>>)
        tpu.yield
      }) : () -> ()
    } else {
    }
    %barrier3A = arith.constant 0 : index
    tpu.barrier barrier_id(%barrier3A)
    %scan3A = arith.constant 0 : i32
    %scan3A_3 = arith.constant 0 : i32
    %scan3A_4 = arith.constant 84 : i32
    %scan3A_5 = arith.addi %scan3A_3, %scan3A_4 : i32
    %scan3A_6 = arith.constant 1 : i32
    scf.for %scan3A_20 = %scan3A_3 to %scan3A_5 step %scan3A_6  : i32 {
      %dma_start3A = arith.constant 0 : i32
      %dma_start3A_21 = tpu.memref_slice %arg6[%scan3A_20, %dma_start3A] : memref<84x128xi32, #tpu.memory_space<vmem>> -> memref<1x128xi32, #tpu.memory_space<vmem>>
      %dma_start3A_22 = tpu.memref_squeeze %dma_start3A_21 : memref<1x128xi32, #tpu.memory_space<vmem>> -> memref<128xi32, #tpu.memory_space<vmem>>
      %dma_start3A_23 = arith.constant 0 : i32
      %dma_start3A_24 = arith.constant 0 : i32
      %dma_start3A_25 = tpu.memref_slice %arg8[%dma_start3A_23, %dma_start3A_24] : memref<10112x1xf32, #tpu.memory_space<vmem_shared>> -> memref<10112x1xf32, #tpu.memory_space<vmem_shared>>
      tpu.enqueue_indirect_dma source(%arg7 : memref<128x1xf32, #tpu.memory_space<vmem>>) target(%dma_start3A_25 : memref<10112x1xf32, #tpu.memory_space<vmem_shared>>) offsets(%dma_start3A_22 : memref<128xi32, #tpu.memory_space<vmem>>) semaphore(%arg9 : memref<!tpu.dma_semaphore, #tpu.memory_space<semaphore_mem>>) {add = true}
      %gt3A = arith.constant 2 : i32
      %gt3A_26 = arith.cmpi sgt, %scan3A_20, %gt3A : i32
      %convert_element_type3A_27 = arith.extui %gt3A_26 : i1 to i32
      %cond3A_28 = arith.constant 0 : i32
      %cond3A_29 = arith.cmpi ne, %convert_element_type3A_27, %cond3A_28 : i32
      scf.if %cond3A_29 {
        %sub3A = arith.constant 3 : i32
        %sub3A_30 = arith.subi %scan3A_20, %sub3A : i32
        %dma_wait3A = arith.constant 0 : i32
        %dma_wait3A_31 = tpu.memref_slice %arg6[%sub3A_30, %dma_wait3A] : memref<84x128xi32, #tpu.memory_space<vmem>> -> memref<1x128xi32, #tpu.memory_space<vmem>>
        %dma_wait3A_32 = tpu.memref_squeeze %dma_wait3A_31 : memref<1x128xi32, #tpu.memory_space<vmem>> -> memref<128xi32, #tpu.memory_space<vmem>>
        %dma_wait3A_33 = arith.constant 0 : i32
        %dma_wait3A_34 = arith.constant 0 : i32
        %dma_wait3A_35 = tpu.memref_slice %arg8[%dma_wait3A_33, %dma_wait3A_34] : memref<10112x1xf32, #tpu.memory_space<vmem_shared>> -> memref<10112x1xf32, #tpu.memory_space<vmem_shared>>
        tpu.wait_indirect_dma semaphore(%arg9 : memref<!tpu.dma_semaphore, #tpu.memory_space<semaphore_mem>>) src(%arg7 : memref<128x1xf32, #tpu.memory_space<vmem>>) dst(%dma_wait3A_35 : memref<10112x1xf32, #tpu.memory_space<vmem_shared>>)
      } else {
      }
    }
    %scan3A_7 = arith.constant 84 : i32
    %scan3A_8 = arith.constant 0 : i32
    %scan3A_9 = arith.constant 81 : i32
    %scan3A_10 = arith.constant 3 : i32
    %scan3A_11 = arith.addi %scan3A_9, %scan3A_10 : i32
    %scan3A_12 = arith.constant 1 : i32
    scf.for %scan3A_20 = %scan3A_9 to %scan3A_11 step %scan3A_12  : i32 {
      %dma_wait3A = arith.constant 0 : i32
      %dma_wait3A_21 = tpu.memref_slice %arg6[%scan3A_20, %dma_wait3A] : memref<84x128xi32, #tpu.memory_space<vmem>> -> memref<1x128xi32, #tpu.memory_space<vmem>>
      %dma_wait3A_22 = tpu.memref_squeeze %dma_wait3A_21 : memref<1x128xi32, #tpu.memory_space<vmem>> -> memref<128xi32, #tpu.memory_space<vmem>>
      %dma_wait3A_23 = arith.constant 0 : i32
      %dma_wait3A_24 = arith.constant 0 : i32
      %dma_wait3A_25 = tpu.memref_slice %arg8[%dma_wait3A_23, %dma_wait3A_24] : memref<10112x1xf32, #tpu.memory_space<vmem_shared>> -> memref<10112x1xf32, #tpu.memory_space<vmem_shared>>
      tpu.wait_indirect_dma semaphore(%arg9 : memref<!tpu.dma_semaphore, #tpu.memory_space<semaphore_mem>>) src(%arg7 : memref<128x1xf32, #tpu.memory_space<vmem>>) dst(%dma_wait3A_25 : memref<10112x1xf32, #tpu.memory_space<vmem_shared>>)
    }
    %scan3A_13 = arith.constant 3 : i32
    %barrier3A_14 = arith.constant 0 : index
    tpu.barrier barrier_id(%barrier3A_14)
    %eq3A_15 = arith.constant 0 : i32
    %eq3A_16 = arith.cmpi eq, %arg1, %eq3A_15 : i32
    %convert_element_type3A_17 = arith.extui %eq3A_16 : i1 to i32
    %cond3A_18 = arith.constant 0 : i32
    %cond3A_19 = arith.cmpi ne, %convert_element_type3A_17, %cond3A_18 : i32
    scf.if %cond3A_19 {
      %mul3A_20 = arith.constant 10112 : i32
      %mul3A_21 = arith.muli %arg0, %mul3A_20 : i32
      "tpu.region"() ({
        %run_scoped3A = tpu.sem_alloc : memref<!tpu.dma_semaphore, #tpu.memory_space<semaphore_mem>>
        %dma_start3A = arith.constant 0 : i32
        %dma_start3A_22 = tpu.memref_slice %arg5[%mul3A_21, %dma_start3A] : memref<20224x1xf32, #tpu.memory_space<hbm>> -> memref<10112x1xf32, #tpu.memory_space<hbm>>
        tpu.enqueue_dma source(%arg8 : memref<10112x1xf32, #tpu.memory_space<vmem_shared>>) target(%dma_start3A_22 : memref<10112x1xf32, #tpu.memory_space<hbm>>) target_semaphore(%run_scoped3A : memref<!tpu.dma_semaphore, #tpu.memory_space<semaphore_mem>>)
        %dma_wait3A = arith.constant 0 : i32
        %dma_wait3A_23 = tpu.memref_slice %arg5[%mul3A_21, %dma_wait3A] : memref<20224x1xf32, #tpu.memory_space<hbm>> -> memref<10112x1xf32, #tpu.memory_space<hbm>>
        tpu.wait_dma2 semaphore(%run_scoped3A : memref<!tpu.dma_semaphore, #tpu.memory_space<semaphore_mem>>) src(%arg8 : memref<10112x1xf32, #tpu.memory_space<vmem_shared>>) dst(%dma_wait3A_23 : memref<10112x1xf32, #tpu.memory_space<hbm>>)
        tpu.yield
      }) : () -> ()
    } else {
    }
    return
  }
}

#map = affine_map<(d0, d1) -> (0, 0)>
#map1 = affine_map<(d0, d1) -> (0, 0, 0)>
module attributes {stable_mosaic.version = 14 : i64} {
  func.func @k(%arg0: i32, %arg1: i32, %arg2: memref<10112x128xf32, #tpu.memory_space<hbm>>, %arg3: memref<96x36x96xi32, #tpu.memory_space<hbm>>, %arg4: memref<96x36x96xi32, #tpu.memory_space<hbm>>, %arg5: memref<10112x128xf32, #tpu.memory_space<hbm>>, %arg6: memref<20224x128xf32, #tpu.memory_space<hbm>>, %arg7: memref<36x96xi32, #tpu.memory_space<vmem>>, %arg8: memref<36x96xi32, #tpu.memory_space<vmem>>, %arg9: memref<96x128xf32, #tpu.memory_space<vmem>>, %arg10: memref<96x128xf32, #tpu.memory_space<vmem>>, %arg11: memref<96x128xf32, #tpu.memory_space<vmem>>, %arg12: memref<10112x128xf32, #tpu.memory_space<vmem_shared>>, %arg13: memref<!tpu.dma_semaphore, #tpu.memory_space<semaphore_mem>>, %arg14: memref<!tpu.dma_semaphore, #tpu.memory_space<semaphore_mem>>, %arg15: memref<!tpu.dma_semaphore, #tpu.memory_space<semaphore_mem>>) attributes {dimension_semantics = [#tpu.dimension_semantics<core_parallel>, #tpu.dimension_semantics<subcore_parallel>], iteration_bounds = array<i64: 2, 16>, scalar_prefetch = 0 : i64, scratch_operands = 9 : i64, tpu.core_type = #tpu.core_type<sc_vector_subcore>, window_params = [{transform_indices = #map}, {transform_indices = #map1}, {transform_indices = #map1}, {transform_indices = #map}, {transform_indices = #map}]} {
    %mul3A = arith.constant 16 : i32
    %mul3A_0 = arith.muli %arg0, %mul3A : i32
    %add3A = arith.addi %mul3A_0, %arg1 : i32
    %mul3A_1 = arith.constant 632 : i32
    %mul3A_2 = arith.muli %arg1, %mul3A_1 : i32
    %mul3A_3 = arith.constant 632 : i32
    %mul3A_4 = arith.muli %arg1, %mul3A_3 : i32
    "tpu.region"() ({
      %run_scoped3A = tpu.sem_alloc : memref<!tpu.dma_semaphore, #tpu.memory_space<semaphore_mem>>
      %dma_start3A = arith.constant 0 : i32
      %dma_start3A_18 = tpu.memref_slice %arg12[%mul3A_4, %dma_start3A] : memref<10112x128xf32, #tpu.memory_space<vmem_shared>> -> memref<632x128xf32, #tpu.memory_space<vmem_shared>>
      %dma_start3A_19 = arith.constant 0 : i32
      %dma_start3A_20 = tpu.memref_slice %arg5[%mul3A_2, %dma_start3A_19] : memref<10112x128xf32, #tpu.memory_space<hbm>> -> memref<632x128xf32, #tpu.memory_space<hbm>>
      tpu.enqueue_dma source(%dma_start3A_20 : memref<632x128xf32, #tpu.memory_space<hbm>>) target(%dma_start3A_18 : memref<632x128xf32, #tpu.memory_space<vmem_shared>>) target_semaphore(%run_scoped3A : memref<!tpu.dma_semaphore, #tpu.memory_space<semaphore_mem>>)
      %dma_wait3A = arith.constant 0 : i32
      %dma_wait3A_21 = tpu.memref_slice %arg12[%mul3A_4, %dma_wait3A] : memref<10112x128xf32, #tpu.memory_space<vmem_shared>> -> memref<632x128xf32, #tpu.memory_space<vmem_shared>>
      %dma_wait3A_22 = arith.constant 0 : i32
      %dma_wait3A_23 = tpu.memref_slice %arg5[%mul3A_2, %dma_wait3A_22] : memref<10112x128xf32, #tpu.memory_space<hbm>> -> memref<632x128xf32, #tpu.memory_space<hbm>>
      tpu.wait_dma2 semaphore(%run_scoped3A : memref<!tpu.dma_semaphore, #tpu.memory_space<semaphore_mem>>) src(%dma_wait3A_23 : memref<632x128xf32, #tpu.memory_space<hbm>>) dst(%dma_wait3A_21 : memref<632x128xf32, #tpu.memory_space<vmem_shared>>)
      tpu.yield
    }) : () -> ()
    %barrier3A = arith.constant 0 : index
    tpu.barrier barrier_id(%barrier3A)
    %scan3A = arith.constant 0 : i32
    %scan3A_5 = arith.constant 0 : i32
    %scan3A_6 = arith.constant 3 : i32
    %scan3A_7 = arith.addi %scan3A_5, %scan3A_6 : i32
    %scan3A_8 = arith.constant 1 : i32
    scf.for %scan3A_18 = %scan3A_5 to %scan3A_7 step %scan3A_8  : i32 {
      %mul3A_19 = arith.constant 3 : i32
      %mul3A_20 = arith.muli %add3A, %mul3A_19 : i32
      %add3A_21 = arith.addi %mul3A_20, %scan3A_18 : i32
      "tpu.region"() ({
        %run_scoped3A = tpu.sem_alloc : memref<!tpu.dma_semaphore, #tpu.memory_space<semaphore_mem>>
        %dma_start3A_51 = arith.constant 0 : i32
        %dma_start3A_52 = arith.constant 0 : i32
        %dma_start3A_53 = tpu.memref_slice %arg3[%add3A_21, %dma_start3A_51, %dma_start3A_52] : memref<96x36x96xi32, #tpu.memory_space<hbm>> -> memref<1x36x96xi32, #tpu.memory_space<hbm>>
        %dma_start3A_54 = tpu.memref_squeeze %dma_start3A_53 : memref<1x36x96xi32, #tpu.memory_space<hbm>> -> memref<36x96xi32, #tpu.memory_space<hbm>>
        %dma_start3A_55 = arith.constant 0 : i32
        %dma_start3A_56 = arith.constant 0 : i32
        %dma_start3A_57 = tpu.memref_slice %arg3[%add3A_21, %dma_start3A_55, %dma_start3A_56] : memref<96x36x96xi32, #tpu.memory_space<hbm>> -> memref<1x36x96xi32, #tpu.memory_space<hbm>>
        %dma_start3A_58 = tpu.memref_squeeze %dma_start3A_57 : memref<1x36x96xi32, #tpu.memory_space<hbm>> -> memref<36x96xi32, #tpu.memory_space<hbm>>
        tpu.enqueue_dma source(%dma_start3A_58 : memref<36x96xi32, #tpu.memory_space<hbm>>) target(%arg7 : memref<36x96xi32, #tpu.memory_space<vmem>>) target_semaphore(%run_scoped3A : memref<!tpu.dma_semaphore, #tpu.memory_space<semaphore_mem>>)
        %dma_wait3A = arith.constant 0 : i32
        %dma_wait3A_59 = arith.constant 0 : i32
        %dma_wait3A_60 = tpu.memref_slice %arg3[%add3A_21, %dma_wait3A, %dma_wait3A_59] : memref<96x36x96xi32, #tpu.memory_space<hbm>> -> memref<1x36x96xi32, #tpu.memory_space<hbm>>
        %dma_wait3A_61 = tpu.memref_squeeze %dma_wait3A_60 : memref<1x36x96xi32, #tpu.memory_space<hbm>> -> memref<36x96xi32, #tpu.memory_space<hbm>>
        %dma_wait3A_62 = arith.constant 0 : i32
        %dma_wait3A_63 = arith.constant 0 : i32
        %dma_wait3A_64 = tpu.memref_slice %arg3[%add3A_21, %dma_wait3A_62, %dma_wait3A_63] : memref<96x36x96xi32, #tpu.memory_space<hbm>> -> memref<1x36x96xi32, #tpu.memory_space<hbm>>
        %dma_wait3A_65 = tpu.memref_squeeze %dma_wait3A_64 : memref<1x36x96xi32, #tpu.memory_space<hbm>> -> memref<36x96xi32, #tpu.memory_space<hbm>>
        tpu.wait_dma2 semaphore(%run_scoped3A : memref<!tpu.dma_semaphore, #tpu.memory_space<semaphore_mem>>) src(%dma_wait3A_65 : memref<36x96xi32, #tpu.memory_space<hbm>>) dst(%arg7 : memref<36x96xi32, #tpu.memory_space<vmem>>)
        tpu.yield
      }) : () -> ()
      %mul3A_22 = arith.constant 3 : i32
      %mul3A_23 = arith.muli %add3A, %mul3A_22 : i32
      %add3A_24 = arith.addi %mul3A_23, %scan3A_18 : i32
      "tpu.region"() ({
        %run_scoped3A = tpu.sem_alloc : memref<!tpu.dma_semaphore, #tpu.memory_space<semaphore_mem>>
        %dma_start3A_51 = arith.constant 0 : i32
        %dma_start3A_52 = arith.constant 0 : i32
        %dma_start3A_53 = tpu.memref_slice %arg4[%add3A_24, %dma_start3A_51, %dma_start3A_52] : memref<96x36x96xi32, #tpu.memory_space<hbm>> -> memref<1x36x96xi32, #tpu.memory_space<hbm>>
        %dma_start3A_54 = tpu.memref_squeeze %dma_start3A_53 : memref<1x36x96xi32, #tpu.memory_space<hbm>> -> memref<36x96xi32, #tpu.memory_space<hbm>>
        %dma_start3A_55 = arith.constant 0 : i32
        %dma_start3A_56 = arith.constant 0 : i32
        %dma_start3A_57 = tpu.memref_slice %arg4[%add3A_24, %dma_start3A_55, %dma_start3A_56] : memref<96x36x96xi32, #tpu.memory_space<hbm>> -> memref<1x36x96xi32, #tpu.memory_space<hbm>>
        %dma_start3A_58 = tpu.memref_squeeze %dma_start3A_57 : memref<1x36x96xi32, #tpu.memory_space<hbm>> -> memref<36x96xi32, #tpu.memory_space<hbm>>
        tpu.enqueue_dma source(%dma_start3A_58 : memref<36x96xi32, #tpu.memory_space<hbm>>) target(%arg8 : memref<36x96xi32, #tpu.memory_space<vmem>>) target_semaphore(%run_scoped3A : memref<!tpu.dma_semaphore, #tpu.memory_space<semaphore_mem>>)
        %dma_wait3A = arith.constant 0 : i32
        %dma_wait3A_59 = arith.constant 0 : i32
        %dma_wait3A_60 = tpu.memref_slice %arg4[%add3A_24, %dma_wait3A, %dma_wait3A_59] : memref<96x36x96xi32, #tpu.memory_space<hbm>> -> memref<1x36x96xi32, #tpu.memory_space<hbm>>
        %dma_wait3A_61 = tpu.memref_squeeze %dma_wait3A_60 : memref<1x36x96xi32, #tpu.memory_space<hbm>> -> memref<36x96xi32, #tpu.memory_space<hbm>>
        %dma_wait3A_62 = arith.constant 0 : i32
        %dma_wait3A_63 = arith.constant 0 : i32
        %dma_wait3A_64 = tpu.memref_slice %arg4[%add3A_24, %dma_wait3A_62, %dma_wait3A_63] : memref<96x36x96xi32, #tpu.memory_space<hbm>> -> memref<1x36x96xi32, #tpu.memory_space<hbm>>
        %dma_wait3A_65 = tpu.memref_squeeze %dma_wait3A_64 : memref<1x36x96xi32, #tpu.memory_space<hbm>> -> memref<36x96xi32, #tpu.memory_space<hbm>>
        tpu.wait_dma2 semaphore(%run_scoped3A : memref<!tpu.dma_semaphore, #tpu.memory_space<semaphore_mem>>) src(%dma_wait3A_65 : memref<36x96xi32, #tpu.memory_space<hbm>>) dst(%arg8 : memref<36x96xi32, #tpu.memory_space<vmem>>)
        tpu.yield
      }) : () -> ()
      %dma_start3A = arith.constant 0 : i32
      %dma_start3A_25 = arith.constant 0 : i32
      %dma_start3A_26 = tpu.memref_slice %arg7[%dma_start3A, %dma_start3A_25] : memref<36x96xi32, #tpu.memory_space<vmem>> -> memref<1x96xi32, #tpu.memory_space<vmem>>
      %dma_start3A_27 = tpu.memref_squeeze %dma_start3A_26 : memref<1x96xi32, #tpu.memory_space<vmem>> -> memref<96xi32, #tpu.memory_space<vmem>>
      %dma_start3A_28 = arith.constant 0 : i32
      %dma_start3A_29 = arith.constant 0 : i32
      %dma_start3A_30 = tpu.memref_slice %arg2[%dma_start3A_28, %dma_start3A_29] : memref<10112x128xf32, #tpu.memory_space<hbm>> -> memref<10112x128xf32, #tpu.memory_space<hbm>>
      tpu.enqueue_indirect_dma source(%dma_start3A_30 : memref<10112x128xf32, #tpu.memory_space<hbm>>) target(%arg9 : memref<96x128xf32, #tpu.memory_space<vmem>>) offsets(%dma_start3A_27 : memref<96xi32, #tpu.memory_space<vmem>>) semaphore(%arg13 : memref<!tpu.dma_semaphore, #tpu.memory_space<semaphore_mem>>)
      %dma_start3A_31 = arith.constant 1 : i32
      %dma_start3A_32 = arith.constant 0 : i32
      %dma_start3A_33 = tpu.memref_slice %arg7[%dma_start3A_31, %dma_start3A_32] : memref<36x96xi32, #tpu.memory_space<vmem>> -> memref<1x96xi32, #tpu.memory_space<vmem>>
      %dma_start3A_34 = tpu.memref_squeeze %dma_start3A_33 : memref<1x96xi32, #tpu.memory_space<vmem>> -> memref<96xi32, #tpu.memory_space<vmem>>
      %dma_start3A_35 = arith.constant 0 : i32
      %dma_start3A_36 = arith.constant 0 : i32
      %dma_start3A_37 = tpu.memref_slice %arg2[%dma_start3A_35, %dma_start3A_36] : memref<10112x128xf32, #tpu.memory_space<hbm>> -> memref<10112x128xf32, #tpu.memory_space<hbm>>
      tpu.enqueue_indirect_dma source(%dma_start3A_37 : memref<10112x128xf32, #tpu.memory_space<hbm>>) target(%arg10 : memref<96x128xf32, #tpu.memory_space<vmem>>) offsets(%dma_start3A_34 : memref<96xi32, #tpu.memory_space<vmem>>) semaphore(%arg14 : memref<!tpu.dma_semaphore, #tpu.memory_space<semaphore_mem>>)
      %dma_start3A_38 = arith.constant 2 : i32
      %dma_start3A_39 = arith.constant 0 : i32
      %dma_start3A_40 = tpu.memref_slice %arg7[%dma_start3A_38, %dma_start3A_39] : memref<36x96xi32, #tpu.memory_space<vmem>> -> memref<1x96xi32, #tpu.memory_space<vmem>>
      %dma_start3A_41 = tpu.memref_squeeze %dma_start3A_40 : memref<1x96xi32, #tpu.memory_space<vmem>> -> memref<96xi32, #tpu.memory_space<vmem>>
      %dma_start3A_42 = arith.constant 0 : i32
      %dma_start3A_43 = arith.constant 0 : i32
      %dma_start3A_44 = tpu.memref_slice %arg2[%dma_start3A_42, %dma_start3A_43] : memref<10112x128xf32, #tpu.memory_space<hbm>> -> memref<10112x128xf32, #tpu.memory_space<hbm>>
      tpu.enqueue_indirect_dma source(%dma_start3A_44 : memref<10112x128xf32, #tpu.memory_space<hbm>>) target(%arg11 : memref<96x128xf32, #tpu.memory_space<vmem>>) offsets(%dma_start3A_41 : memref<96xi32, #tpu.memory_space<vmem>>) semaphore(%arg15 : memref<!tpu.dma_semaphore, #tpu.memory_space<semaphore_mem>>)
      %scan3A_45 = arith.constant 0 : i32
      %scan3A_46 = arith.constant 0 : i32
      %scan3A_47 = arith.constant 12 : i32
      %scan3A_48 = arith.addi %scan3A_46, %scan3A_47 : i32
      %scan3A_49 = arith.constant 1 : i32
      scf.for %scan3A_51 = %scan3A_46 to %scan3A_48 step %scan3A_49  : i32 {
        %mul3A_52 = arith.constant 3 : i32
        %mul3A_53 = arith.muli %mul3A_52, %scan3A_51 : i32
        %add3A_54 = arith.constant 0 : i32
        %add3A_55 = arith.addi %mul3A_53, %add3A_54 : i32
        %dma_wait3A = arith.constant 0 : i32
        %dma_wait3A_56 = tpu.memref_slice %arg7[%add3A_55, %dma_wait3A] : memref<36x96xi32, #tpu.memory_space<vmem>> -> memref<1x96xi32, #tpu.memory_space<vmem>>
        %dma_wait3A_57 = tpu.memref_squeeze %dma_wait3A_56 : memref<1x96xi32, #tpu.memory_space<vmem>> -> memref<96xi32, #tpu.memory_space<vmem>>
        %dma_wait3A_58 = arith.constant 0 : i32
        %dma_wait3A_59 = arith.constant 0 : i32
        %dma_wait3A_60 = tpu.memref_slice %arg2[%dma_wait3A_58, %dma_wait3A_59] : memref<10112x128xf32, #tpu.memory_space<hbm>> -> memref<10112x128xf32, #tpu.memory_space<hbm>>
        tpu.wait_indirect_dma semaphore(%arg13 : memref<!tpu.dma_semaphore, #tpu.memory_space<semaphore_mem>>) src(%dma_wait3A_60 : memref<10112x128xf32, #tpu.memory_space<hbm>>) dst(%arg9 : memref<96x128xf32, #tpu.memory_space<vmem>>)
        %add3A_61 = arith.constant 0 : i32
        %add3A_62 = arith.addi %mul3A_53, %add3A_61 : i32
        "tpu.region"() ({
          %run_scoped3A = tpu.sem_alloc : memref<!tpu.dma_semaphore, #tpu.memory_space<semaphore_mem>>
          %dma_start3A_95 = arith.constant 0 : i32
          %dma_start3A_96 = tpu.memref_slice %arg8[%add3A_62, %dma_start3A_95] : memref<36x96xi32, #tpu.memory_space<vmem>> -> memref<1x96xi32, #tpu.memory_space<vmem>>
          %dma_start3A_97 = tpu.memref_squeeze %dma_start3A_96 : memref<1x96xi32, #tpu.memory_space<vmem>> -> memref<96xi32, #tpu.memory_space<vmem>>
          %dma_start3A_98 = arith.constant 0 : i32
          %dma_start3A_99 = arith.constant 0 : i32
          %dma_start3A_100 = tpu.memref_slice %arg12[%dma_start3A_98, %dma_start3A_99] : memref<10112x128xf32, #tpu.memory_space<vmem_shared>> -> memref<10112x128xf32, #tpu.memory_space<vmem_shared>>
          tpu.enqueue_indirect_dma source(%arg9 : memref<96x128xf32, #tpu.memory_space<vmem>>) target(%dma_start3A_100 : memref<10112x128xf32, #tpu.memory_space<vmem_shared>>) offsets(%dma_start3A_97 : memref<96xi32, #tpu.memory_space<vmem>>) semaphore(%run_scoped3A : memref<!tpu.dma_semaphore, #tpu.memory_space<semaphore_mem>>) {add = true}
          %dma_wait3A_101 = arith.constant 0 : i32
          %dma_wait3A_102 = tpu.memref_slice %arg8[%add3A_62, %dma_wait3A_101] : memref<36x96xi32, #tpu.memory_space<vmem>> -> memref<1x96xi32, #tpu.memory_space<vmem>>
          %dma_wait3A_103 = tpu.memref_squeeze %dma_wait3A_102 : memref<1x96xi32, #tpu.memory_space<vmem>> -> memref<96xi32, #tpu.memory_space<vmem>>
          %dma_wait3A_104 = arith.constant 0 : i32
          %dma_wait3A_105 = arith.constant 0 : i32
          %dma_wait3A_106 = tpu.memref_slice %arg12[%dma_wait3A_104, %dma_wait3A_105] : memref<10112x128xf32, #tpu.memory_space<vmem_shared>> -> memref<10112x128xf32, #tpu.memory_space<vmem_shared>>
          tpu.wait_indirect_dma semaphore(%run_scoped3A : memref<!tpu.dma_semaphore, #tpu.memory_space<semaphore_mem>>) src(%arg9 : memref<96x128xf32, #tpu.memory_space<vmem>>) dst(%dma_wait3A_106 : memref<10112x128xf32, #tpu.memory_space<vmem_shared>>)
          tpu.yield
        }) : () -> ()
        %lt3A = arith.constant 11 : i32
        %lt3A_63 = arith.cmpi slt, %scan3A_51, %lt3A : i32
        %convert_element_type3A = arith.extui %lt3A_63 : i1 to i32
        %cond3A = arith.constant 0 : i32
        %cond3A_64 = arith.cmpi ne, %convert_element_type3A, %cond3A : i32
        scf.if %cond3A_64 {
          %add3A_95 = arith.constant 0 : i32
          %add3A_96 = arith.addi %mul3A_53, %add3A_95 : i32
          %add3A_97 = arith.constant 3 : i32
          %add3A_98 = arith.addi %add3A_96, %add3A_97 : i32
          %dma_start3A_99 = arith.constant 0 : i32
          %dma_start3A_100 = tpu.memref_slice %arg7[%add3A_98, %dma_start3A_99] : memref<36x96xi32, #tpu.memory_space<vmem>> -> memref<1x96xi32, #tpu.memory_space<vmem>>
          %dma_start3A_101 = tpu.memref_squeeze %dma_start3A_100 : memref<1x96xi32, #tpu.memory_space<vmem>> -> memref<96xi32, #tpu.memory_space<vmem>>
          %dma_start3A_102 = arith.constant 0 : i32
          %dma_start3A_103 = arith.constant 0 : i32
          %dma_start3A_104 = tpu.memref_slice %arg2[%dma_start3A_102, %dma_start3A_103] : memref<10112x128xf32, #tpu.memory_space<hbm>> -> memref<10112x128xf32, #tpu.memory_space<hbm>>
          tpu.enqueue_indirect_dma source(%dma_start3A_104 : memref<10112x128xf32, #tpu.memory_space<hbm>>) target(%arg9 : memref<96x128xf32, #tpu.memory_space<vmem>>) offsets(%dma_start3A_101 : memref<96xi32, #tpu.memory_space<vmem>>) semaphore(%arg13 : memref<!tpu.dma_semaphore, #tpu.memory_space<semaphore_mem>>)
        } else {
        }
        %add3A_65 = arith.constant 1 : i32
        %add3A_66 = arith.addi %mul3A_53, %add3A_65 : i32
        %dma_wait3A_67 = arith.constant 0 : i32
        %dma_wait3A_68 = tpu.memref_slice %arg7[%add3A_66, %dma_wait3A_67] : memref<36x96xi32, #tpu.memory_space<vmem>> -> memref<1x96xi32, #tpu.memory_space<vmem>>
        %dma_wait3A_69 = tpu.memref_squeeze %dma_wait3A_68 : memref<1x96xi32, #tpu.memory_space<vmem>> -> memref<96xi32, #tpu.memory_space<vmem>>
        %dma_wait3A_70 = arith.constant 0 : i32
        %dma_wait3A_71 = arith.constant 0 : i32
        %dma_wait3A_72 = tpu.memref_slice %arg2[%dma_wait3A_70, %dma_wait3A_71] : memref<10112x128xf32, #tpu.memory_space<hbm>> -> memref<10112x128xf32, #tpu.memory_space<hbm>>
        tpu.wait_indirect_dma semaphore(%arg14 : memref<!tpu.dma_semaphore, #tpu.memory_space<semaphore_mem>>) src(%dma_wait3A_72 : memref<10112x128xf32, #tpu.memory_space<hbm>>) dst(%arg10 : memref<96x128xf32, #tpu.memory_space<vmem>>)
        %add3A_73 = arith.constant 1 : i32
        %add3A_74 = arith.addi %mul3A_53, %add3A_73 : i32
        "tpu.region"() ({
          %run_scoped3A = tpu.sem_alloc : memref<!tpu.dma_semaphore, #tpu.memory_space<semaphore_mem>>
          %dma_start3A_95 = arith.constant 0 : i32
          %dma_start3A_96 = tpu.memref_slice %arg8[%add3A_74, %dma_start3A_95] : memref<36x96xi32, #tpu.memory_space<vmem>> -> memref<1x96xi32, #tpu.memory_space<vmem>>
          %dma_start3A_97 = tpu.memref_squeeze %dma_start3A_96 : memref<1x96xi32, #tpu.memory_space<vmem>> -> memref<96xi32, #tpu.memory_space<vmem>>
          %dma_start3A_98 = arith.constant 0 : i32
          %dma_start3A_99 = arith.constant 0 : i32
          %dma_start3A_100 = tpu.memref_slice %arg12[%dma_start3A_98, %dma_start3A_99] : memref<10112x128xf32, #tpu.memory_space<vmem_shared>> -> memref<10112x128xf32, #tpu.memory_space<vmem_shared>>
          tpu.enqueue_indirect_dma source(%arg10 : memref<96x128xf32, #tpu.memory_space<vmem>>) target(%dma_start3A_100 : memref<10112x128xf32, #tpu.memory_space<vmem_shared>>) offsets(%dma_start3A_97 : memref<96xi32, #tpu.memory_space<vmem>>) semaphore(%run_scoped3A : memref<!tpu.dma_semaphore, #tpu.memory_space<semaphore_mem>>) {add = true}
          %dma_wait3A_101 = arith.constant 0 : i32
          %dma_wait3A_102 = tpu.memref_slice %arg8[%add3A_74, %dma_wait3A_101] : memref<36x96xi32, #tpu.memory_space<vmem>> -> memref<1x96xi32, #tpu.memory_space<vmem>>
          %dma_wait3A_103 = tpu.memref_squeeze %dma_wait3A_102 : memref<1x96xi32, #tpu.memory_space<vmem>> -> memref<96xi32, #tpu.memory_space<vmem>>
          %dma_wait3A_104 = arith.constant 0 : i32
          %dma_wait3A_105 = arith.constant 0 : i32
          %dma_wait3A_106 = tpu.memref_slice %arg12[%dma_wait3A_104, %dma_wait3A_105] : memref<10112x128xf32, #tpu.memory_space<vmem_shared>> -> memref<10112x128xf32, #tpu.memory_space<vmem_shared>>
          tpu.wait_indirect_dma semaphore(%run_scoped3A : memref<!tpu.dma_semaphore, #tpu.memory_space<semaphore_mem>>) src(%arg10 : memref<96x128xf32, #tpu.memory_space<vmem>>) dst(%dma_wait3A_106 : memref<10112x128xf32, #tpu.memory_space<vmem_shared>>)
          tpu.yield
        }) : () -> ()
        %lt3A_75 = arith.constant 11 : i32
        %lt3A_76 = arith.cmpi slt, %scan3A_51, %lt3A_75 : i32
        %convert_element_type3A_77 = arith.extui %lt3A_76 : i1 to i32
        %cond3A_78 = arith.constant 0 : i32
        %cond3A_79 = arith.cmpi ne, %convert_element_type3A_77, %cond3A_78 : i32
        scf.if %cond3A_79 {
          %add3A_95 = arith.constant 1 : i32
          %add3A_96 = arith.addi %mul3A_53, %add3A_95 : i32
          %add3A_97 = arith.constant 3 : i32
          %add3A_98 = arith.addi %add3A_96, %add3A_97 : i32
          %dma_start3A_99 = arith.constant 0 : i32
          %dma_start3A_100 = tpu.memref_slice %arg7[%add3A_98, %dma_start3A_99] : memref<36x96xi32, #tpu.memory_space<vmem>> -> memref<1x96xi32, #tpu.memory_space<vmem>>
          %dma_start3A_101 = tpu.memref_squeeze %dma_start3A_100 : memref<1x96xi32, #tpu.memory_space<vmem>> -> memref<96xi32, #tpu.memory_space<vmem>>
          %dma_start3A_102 = arith.constant 0 : i32
          %dma_start3A_103 = arith.constant 0 : i32
          %dma_start3A_104 = tpu.memref_slice %arg2[%dma_start3A_102, %dma_start3A_103] : memref<10112x128xf32, #tpu.memory_space<hbm>> -> memref<10112x128xf32, #tpu.memory_space<hbm>>
          tpu.enqueue_indirect_dma source(%dma_start3A_104 : memref<10112x128xf32, #tpu.memory_space<hbm>>) target(%arg10 : memref<96x128xf32, #tpu.memory_space<vmem>>) offsets(%dma_start3A_101 : memref<96xi32, #tpu.memory_space<vmem>>) semaphore(%arg14 : memref<!tpu.dma_semaphore, #tpu.memory_space<semaphore_mem>>)
        } else {
        }
        %add3A_80 = arith.constant 2 : i32
        %add3A_81 = arith.addi %mul3A_53, %add3A_80 : i32
        %dma_wait3A_82 = arith.constant 0 : i32
        %dma_wait3A_83 = tpu.memref_slice %arg7[%add3A_81, %dma_wait3A_82] : memref<36x96xi32, #tpu.memory_space<vmem>> -> memref<1x96xi32, #tpu.memory_space<vmem>>
        %dma_wait3A_84 = tpu.memref_squeeze %dma_wait3A_83 : memref<1x96xi32, #tpu.memory_space<vmem>> -> memref<96xi32, #tpu.memory_space<vmem>>
        %dma_wait3A_85 = arith.constant 0 : i32
        %dma_wait3A_86 = arith.constant 0 : i32
        %dma_wait3A_87 = tpu.memref_slice %arg2[%dma_wait3A_85, %dma_wait3A_86] : memref<10112x128xf32, #tpu.memory_space<hbm>> -> memref<10112x128xf32, #tpu.memory_space<hbm>>
        tpu.wait_indirect_dma semaphore(%arg15 : memref<!tpu.dma_semaphore, #tpu.memory_space<semaphore_mem>>) src(%dma_wait3A_87 : memref<10112x128xf32, #tpu.memory_space<hbm>>) dst(%arg11 : memref<96x128xf32, #tpu.memory_space<vmem>>)
        %add3A_88 = arith.constant 2 : i32
        %add3A_89 = arith.addi %mul3A_53, %add3A_88 : i32
        "tpu.region"() ({
          %run_scoped3A = tpu.sem_alloc : memref<!tpu.dma_semaphore, #tpu.memory_space<semaphore_mem>>
          %dma_start3A_95 = arith.constant 0 : i32
          %dma_start3A_96 = tpu.memref_slice %arg8[%add3A_89, %dma_start3A_95] : memref<36x96xi32, #tpu.memory_space<vmem>> -> memref<1x96xi32, #tpu.memory_space<vmem>>
          %dma_start3A_97 = tpu.memref_squeeze %dma_start3A_96 : memref<1x96xi32, #tpu.memory_space<vmem>> -> memref<96xi32, #tpu.memory_space<vmem>>
          %dma_start3A_98 = arith.constant 0 : i32
          %dma_start3A_99 = arith.constant 0 : i32
          %dma_start3A_100 = tpu.memref_slice %arg12[%dma_start3A_98, %dma_start3A_99] : memref<10112x128xf32, #tpu.memory_space<vmem_shared>> -> memref<10112x128xf32, #tpu.memory_space<vmem_shared>>
          tpu.enqueue_indirect_dma source(%arg11 : memref<96x128xf32, #tpu.memory_space<vmem>>) target(%dma_start3A_100 : memref<10112x128xf32, #tpu.memory_space<vmem_shared>>) offsets(%dma_start3A_97 : memref<96xi32, #tpu.memory_space<vmem>>) semaphore(%run_scoped3A : memref<!tpu.dma_semaphore, #tpu.memory_space<semaphore_mem>>) {add = true}
          %dma_wait3A_101 = arith.constant 0 : i32
          %dma_wait3A_102 = tpu.memref_slice %arg8[%add3A_89, %dma_wait3A_101] : memref<36x96xi32, #tpu.memory_space<vmem>> -> memref<1x96xi32, #tpu.memory_space<vmem>>
          %dma_wait3A_103 = tpu.memref_squeeze %dma_wait3A_102 : memref<1x96xi32, #tpu.memory_space<vmem>> -> memref<96xi32, #tpu.memory_space<vmem>>
          %dma_wait3A_104 = arith.constant 0 : i32
          %dma_wait3A_105 = arith.constant 0 : i32
          %dma_wait3A_106 = tpu.memref_slice %arg12[%dma_wait3A_104, %dma_wait3A_105] : memref<10112x128xf32, #tpu.memory_space<vmem_shared>> -> memref<10112x128xf32, #tpu.memory_space<vmem_shared>>
          tpu.wait_indirect_dma semaphore(%run_scoped3A : memref<!tpu.dma_semaphore, #tpu.memory_space<semaphore_mem>>) src(%arg11 : memref<96x128xf32, #tpu.memory_space<vmem>>) dst(%dma_wait3A_106 : memref<10112x128xf32, #tpu.memory_space<vmem_shared>>)
          tpu.yield
        }) : () -> ()
        %lt3A_90 = arith.constant 11 : i32
        %lt3A_91 = arith.cmpi slt, %scan3A_51, %lt3A_90 : i32
        %convert_element_type3A_92 = arith.extui %lt3A_91 : i1 to i32
        %cond3A_93 = arith.constant 0 : i32
        %cond3A_94 = arith.cmpi ne, %convert_element_type3A_92, %cond3A_93 : i32
        scf.if %cond3A_94 {
          %add3A_95 = arith.constant 2 : i32
          %add3A_96 = arith.addi %mul3A_53, %add3A_95 : i32
          %add3A_97 = arith.constant 3 : i32
          %add3A_98 = arith.addi %add3A_96, %add3A_97 : i32
          %dma_start3A_99 = arith.constant 0 : i32
          %dma_start3A_100 = tpu.memref_slice %arg7[%add3A_98, %dma_start3A_99] : memref<36x96xi32, #tpu.memory_space<vmem>> -> memref<1x96xi32, #tpu.memory_space<vmem>>
          %dma_start3A_101 = tpu.memref_squeeze %dma_start3A_100 : memref<1x96xi32, #tpu.memory_space<vmem>> -> memref<96xi32, #tpu.memory_space<vmem>>
          %dma_start3A_102 = arith.constant 0 : i32
          %dma_start3A_103 = arith.constant 0 : i32
          %dma_start3A_104 = tpu.memref_slice %arg2[%dma_start3A_102, %dma_start3A_103] : memref<10112x128xf32, #tpu.memory_space<hbm>> -> memref<10112x128xf32, #tpu.memory_space<hbm>>
          tpu.enqueue_indirect_dma source(%dma_start3A_104 : memref<10112x128xf32, #tpu.memory_space<hbm>>) target(%arg11 : memref<96x128xf32, #tpu.memory_space<vmem>>) offsets(%dma_start3A_101 : memref<96xi32, #tpu.memory_space<vmem>>) semaphore(%arg15 : memref<!tpu.dma_semaphore, #tpu.memory_space<semaphore_mem>>)
        } else {
        }
      }
      %scan3A_50 = arith.constant 12 : i32
    }
    %scan3A_9 = arith.constant 3 : i32
    %barrier3A_10 = arith.constant 0 : index
    tpu.barrier barrier_id(%barrier3A_10)
    %mul3A_11 = arith.constant 632 : i32
    %mul3A_12 = arith.muli %arg1, %mul3A_11 : i32
    %mul3A_13 = arith.constant 10112 : i32
    %mul3A_14 = arith.muli %arg0, %mul3A_13 : i32
    %mul3A_15 = arith.constant 632 : i32
    %mul3A_16 = arith.muli %arg1, %mul3A_15 : i32
    %add3A_17 = arith.addi %mul3A_14, %mul3A_16 : i32
    "tpu.region"() ({
      %run_scoped3A = tpu.sem_alloc : memref<!tpu.dma_semaphore, #tpu.memory_space<semaphore_mem>>
      %dma_start3A = arith.constant 0 : i32
      %dma_start3A_18 = tpu.memref_slice %arg6[%add3A_17, %dma_start3A] : memref<20224x128xf32, #tpu.memory_space<hbm>> -> memref<632x128xf32, #tpu.memory_space<hbm>>
      %dma_start3A_19 = arith.constant 0 : i32
      %dma_start3A_20 = tpu.memref_slice %arg12[%mul3A_12, %dma_start3A_19] : memref<10112x128xf32, #tpu.memory_space<vmem_shared>> -> memref<632x128xf32, #tpu.memory_space<vmem_shared>>
      tpu.enqueue_dma source(%dma_start3A_20 : memref<632x128xf32, #tpu.memory_space<vmem_shared>>) target(%dma_start3A_18 : memref<632x128xf32, #tpu.memory_space<hbm>>) target_semaphore(%run_scoped3A : memref<!tpu.dma_semaphore, #tpu.memory_space<semaphore_mem>>)
      %dma_wait3A = arith.constant 0 : i32
      %dma_wait3A_21 = tpu.memref_slice %arg6[%add3A_17, %dma_wait3A] : memref<20224x128xf32, #tpu.memory_space<hbm>> -> memref<632x128xf32, #tpu.memory_space<hbm>>
      %dma_wait3A_22 = arith.constant 0 : i32
      %dma_wait3A_23 = tpu.memref_slice %arg12[%mul3A_12, %dma_wait3A_22] : memref<10112x128xf32, #tpu.memory_space<vmem_shared>> -> memref<632x128xf32, #tpu.memory_space<vmem_shared>>
      tpu.wait_dma2 semaphore(%run_scoped3A : memref<!tpu.dma_semaphore, #tpu.memory_space<semaphore_mem>>) src(%dma_wait3A_23 : memref<632x128xf32, #tpu.memory_space<vmem_shared>>) dst(%dma_wait3A_21 : memref<632x128xf32, #tpu.memory_space<hbm>>)
      tpu.yield
    }) : () -> ()
    return
  }
}

#map = affine_map<(d0, d1) -> (0, 0)>
#map1 = affine_map<(d0, d1) -> (0, 0, 0)>
module attributes {stable_mosaic.version = 14 : i64} {
  func.func @k(%arg0: i32, %arg1: i32, %arg2: memref<10112x128xf32, #tpu.memory_space<hbm>>, %arg3: memref<96x36x96xi32, #tpu.memory_space<hbm>>, %arg4: memref<96x36x96xi32, #tpu.memory_space<hbm>>, %arg5: memref<10112x128xf32, #tpu.memory_space<hbm>>, %arg6: memref<20224x128xf32, #tpu.memory_space<hbm>>, %arg7: memref<36x96xi32, #tpu.memory_space<vmem>>, %arg8: memref<36x96xi32, #tpu.memory_space<vmem>>, %arg9: memref<96x128xf32, #tpu.memory_space<vmem>>, %arg10: memref<96x128xf32, #tpu.memory_space<vmem>>, %arg11: memref<96x128xf32, #tpu.memory_space<vmem>>, %arg12: memref<10112x128xf32, #tpu.memory_space<vmem_shared>>, %arg13: memref<!tpu.dma_semaphore, #tpu.memory_space<semaphore_mem>>, %arg14: memref<!tpu.dma_semaphore, #tpu.memory_space<semaphore_mem>>, %arg15: memref<!tpu.dma_semaphore, #tpu.memory_space<semaphore_mem>>) attributes {dimension_semantics = [#tpu.dimension_semantics<core_parallel>, #tpu.dimension_semantics<subcore_parallel>], iteration_bounds = array<i64: 2, 16>, scalar_prefetch = 0 : i64, scratch_operands = 9 : i64, tpu.core_type = #tpu.core_type<sc_vector_subcore>, window_params = [{transform_indices = #map}, {transform_indices = #map1}, {transform_indices = #map1}, {transform_indices = #map}, {transform_indices = #map}]} {
    %mul3A = arith.constant 16 : i32
    %mul3A_0 = arith.muli %arg0, %mul3A : i32
    %add3A = arith.addi %mul3A_0, %arg1 : i32
    %mul3A_1 = arith.constant 632 : i32
    %mul3A_2 = arith.muli %arg1, %mul3A_1 : i32
    %mul3A_3 = arith.constant 632 : i32
    %mul3A_4 = arith.muli %arg1, %mul3A_3 : i32
    "tpu.region"() ({
      %run_scoped3A = tpu.sem_alloc : memref<!tpu.dma_semaphore, #tpu.memory_space<semaphore_mem>>
      %dma_start3A = arith.constant 0 : i32
      %dma_start3A_18 = tpu.memref_slice %arg12[%mul3A_4, %dma_start3A] : memref<10112x128xf32, #tpu.memory_space<vmem_shared>> -> memref<632x128xf32, #tpu.memory_space<vmem_shared>>
      %dma_start3A_19 = arith.constant 0 : i32
      %dma_start3A_20 = tpu.memref_slice %arg5[%mul3A_2, %dma_start3A_19] : memref<10112x128xf32, #tpu.memory_space<hbm>> -> memref<632x128xf32, #tpu.memory_space<hbm>>
      tpu.enqueue_dma source(%dma_start3A_20 : memref<632x128xf32, #tpu.memory_space<hbm>>) target(%dma_start3A_18 : memref<632x128xf32, #tpu.memory_space<vmem_shared>>) target_semaphore(%run_scoped3A : memref<!tpu.dma_semaphore, #tpu.memory_space<semaphore_mem>>)
      %dma_wait3A = arith.constant 0 : i32
      %dma_wait3A_21 = tpu.memref_slice %arg12[%mul3A_4, %dma_wait3A] : memref<10112x128xf32, #tpu.memory_space<vmem_shared>> -> memref<632x128xf32, #tpu.memory_space<vmem_shared>>
      %dma_wait3A_22 = arith.constant 0 : i32
      %dma_wait3A_23 = tpu.memref_slice %arg5[%mul3A_2, %dma_wait3A_22] : memref<10112x128xf32, #tpu.memory_space<hbm>> -> memref<632x128xf32, #tpu.memory_space<hbm>>
      tpu.wait_dma2 semaphore(%run_scoped3A : memref<!tpu.dma_semaphore, #tpu.memory_space<semaphore_mem>>) src(%dma_wait3A_23 : memref<632x128xf32, #tpu.memory_space<hbm>>) dst(%dma_wait3A_21 : memref<632x128xf32, #tpu.memory_space<vmem_shared>>)
      tpu.yield
    }) : () -> ()
    %barrier3A = arith.constant 0 : index
    tpu.barrier barrier_id(%barrier3A)
    %scan3A = arith.constant 0 : i32
    %scan3A_5 = arith.constant 0 : i32
    %scan3A_6 = arith.constant 3 : i32
    %scan3A_7 = arith.addi %scan3A_5, %scan3A_6 : i32
    %scan3A_8 = arith.constant 1 : i32
    scf.for %scan3A_18 = %scan3A_5 to %scan3A_7 step %scan3A_8  : i32 {
      %mul3A_19 = arith.constant 3 : i32
      %mul3A_20 = arith.muli %add3A, %mul3A_19 : i32
      %add3A_21 = arith.addi %mul3A_20, %scan3A_18 : i32
      "tpu.region"() ({
        %run_scoped3A = tpu.sem_alloc : memref<!tpu.dma_semaphore, #tpu.memory_space<semaphore_mem>>
        %dma_start3A_51 = arith.constant 0 : i32
        %dma_start3A_52 = arith.constant 0 : i32
        %dma_start3A_53 = tpu.memref_slice %arg3[%add3A_21, %dma_start3A_51, %dma_start3A_52] : memref<96x36x96xi32, #tpu.memory_space<hbm>> -> memref<1x36x96xi32, #tpu.memory_space<hbm>>
        %dma_start3A_54 = tpu.memref_squeeze %dma_start3A_53 : memref<1x36x96xi32, #tpu.memory_space<hbm>> -> memref<36x96xi32, #tpu.memory_space<hbm>>
        %dma_start3A_55 = arith.constant 0 : i32
        %dma_start3A_56 = arith.constant 0 : i32
        %dma_start3A_57 = tpu.memref_slice %arg3[%add3A_21, %dma_start3A_55, %dma_start3A_56] : memref<96x36x96xi32, #tpu.memory_space<hbm>> -> memref<1x36x96xi32, #tpu.memory_space<hbm>>
        %dma_start3A_58 = tpu.memref_squeeze %dma_start3A_57 : memref<1x36x96xi32, #tpu.memory_space<hbm>> -> memref<36x96xi32, #tpu.memory_space<hbm>>
        tpu.enqueue_dma source(%dma_start3A_58 : memref<36x96xi32, #tpu.memory_space<hbm>>) target(%arg7 : memref<36x96xi32, #tpu.memory_space<vmem>>) target_semaphore(%run_scoped3A : memref<!tpu.dma_semaphore, #tpu.memory_space<semaphore_mem>>)
        %dma_wait3A = arith.constant 0 : i32
        %dma_wait3A_59 = arith.constant 0 : i32
        %dma_wait3A_60 = tpu.memref_slice %arg3[%add3A_21, %dma_wait3A, %dma_wait3A_59] : memref<96x36x96xi32, #tpu.memory_space<hbm>> -> memref<1x36x96xi32, #tpu.memory_space<hbm>>
        %dma_wait3A_61 = tpu.memref_squeeze %dma_wait3A_60 : memref<1x36x96xi32, #tpu.memory_space<hbm>> -> memref<36x96xi32, #tpu.memory_space<hbm>>
        %dma_wait3A_62 = arith.constant 0 : i32
        %dma_wait3A_63 = arith.constant 0 : i32
        %dma_wait3A_64 = tpu.memref_slice %arg3[%add3A_21, %dma_wait3A_62, %dma_wait3A_63] : memref<96x36x96xi32, #tpu.memory_space<hbm>> -> memref<1x36x96xi32, #tpu.memory_space<hbm>>
        %dma_wait3A_65 = tpu.memref_squeeze %dma_wait3A_64 : memref<1x36x96xi32, #tpu.memory_space<hbm>> -> memref<36x96xi32, #tpu.memory_space<hbm>>
        tpu.wait_dma2 semaphore(%run_scoped3A : memref<!tpu.dma_semaphore, #tpu.memory_space<semaphore_mem>>) src(%dma_wait3A_65 : memref<36x96xi32, #tpu.memory_space<hbm>>) dst(%arg7 : memref<36x96xi32, #tpu.memory_space<vmem>>)
        tpu.yield
      }) : () -> ()
      %mul3A_22 = arith.constant 3 : i32
      %mul3A_23 = arith.muli %add3A, %mul3A_22 : i32
      %add3A_24 = arith.addi %mul3A_23, %scan3A_18 : i32
      "tpu.region"() ({
        %run_scoped3A = tpu.sem_alloc : memref<!tpu.dma_semaphore, #tpu.memory_space<semaphore_mem>>
        %dma_start3A_51 = arith.constant 0 : i32
        %dma_start3A_52 = arith.constant 0 : i32
        %dma_start3A_53 = tpu.memref_slice %arg4[%add3A_24, %dma_start3A_51, %dma_start3A_52] : memref<96x36x96xi32, #tpu.memory_space<hbm>> -> memref<1x36x96xi32, #tpu.memory_space<hbm>>
        %dma_start3A_54 = tpu.memref_squeeze %dma_start3A_53 : memref<1x36x96xi32, #tpu.memory_space<hbm>> -> memref<36x96xi32, #tpu.memory_space<hbm>>
        %dma_start3A_55 = arith.constant 0 : i32
        %dma_start3A_56 = arith.constant 0 : i32
        %dma_start3A_57 = tpu.memref_slice %arg4[%add3A_24, %dma_start3A_55, %dma_start3A_56] : memref<96x36x96xi32, #tpu.memory_space<hbm>> -> memref<1x36x96xi32, #tpu.memory_space<hbm>>
        %dma_start3A_58 = tpu.memref_squeeze %dma_start3A_57 : memref<1x36x96xi32, #tpu.memory_space<hbm>> -> memref<36x96xi32, #tpu.memory_space<hbm>>
        tpu.enqueue_dma source(%dma_start3A_58 : memref<36x96xi32, #tpu.memory_space<hbm>>) target(%arg8 : memref<36x96xi32, #tpu.memory_space<vmem>>) target_semaphore(%run_scoped3A : memref<!tpu.dma_semaphore, #tpu.memory_space<semaphore_mem>>)
        %dma_wait3A = arith.constant 0 : i32
        %dma_wait3A_59 = arith.constant 0 : i32
        %dma_wait3A_60 = tpu.memref_slice %arg4[%add3A_24, %dma_wait3A, %dma_wait3A_59] : memref<96x36x96xi32, #tpu.memory_space<hbm>> -> memref<1x36x96xi32, #tpu.memory_space<hbm>>
        %dma_wait3A_61 = tpu.memref_squeeze %dma_wait3A_60 : memref<1x36x96xi32, #tpu.memory_space<hbm>> -> memref<36x96xi32, #tpu.memory_space<hbm>>
        %dma_wait3A_62 = arith.constant 0 : i32
        %dma_wait3A_63 = arith.constant 0 : i32
        %dma_wait3A_64 = tpu.memref_slice %arg4[%add3A_24, %dma_wait3A_62, %dma_wait3A_63] : memref<96x36x96xi32, #tpu.memory_space<hbm>> -> memref<1x36x96xi32, #tpu.memory_space<hbm>>
        %dma_wait3A_65 = tpu.memref_squeeze %dma_wait3A_64 : memref<1x36x96xi32, #tpu.memory_space<hbm>> -> memref<36x96xi32, #tpu.memory_space<hbm>>
        tpu.wait_dma2 semaphore(%run_scoped3A : memref<!tpu.dma_semaphore, #tpu.memory_space<semaphore_mem>>) src(%dma_wait3A_65 : memref<36x96xi32, #tpu.memory_space<hbm>>) dst(%arg8 : memref<36x96xi32, #tpu.memory_space<vmem>>)
        tpu.yield
      }) : () -> ()
      %dma_start3A = arith.constant 0 : i32
      %dma_start3A_25 = arith.constant 0 : i32
      %dma_start3A_26 = tpu.memref_slice %arg7[%dma_start3A, %dma_start3A_25] : memref<36x96xi32, #tpu.memory_space<vmem>> -> memref<1x96xi32, #tpu.memory_space<vmem>>
      %dma_start3A_27 = tpu.memref_squeeze %dma_start3A_26 : memref<1x96xi32, #tpu.memory_space<vmem>> -> memref<96xi32, #tpu.memory_space<vmem>>
      %dma_start3A_28 = arith.constant 0 : i32
      %dma_start3A_29 = arith.constant 0 : i32
      %dma_start3A_30 = tpu.memref_slice %arg2[%dma_start3A_28, %dma_start3A_29] : memref<10112x128xf32, #tpu.memory_space<hbm>> -> memref<10112x128xf32, #tpu.memory_space<hbm>>
      tpu.enqueue_indirect_dma source(%dma_start3A_30 : memref<10112x128xf32, #tpu.memory_space<hbm>>) target(%arg9 : memref<96x128xf32, #tpu.memory_space<vmem>>) offsets(%dma_start3A_27 : memref<96xi32, #tpu.memory_space<vmem>>) semaphore(%arg13 : memref<!tpu.dma_semaphore, #tpu.memory_space<semaphore_mem>>)
      %dma_start3A_31 = arith.constant 1 : i32
      %dma_start3A_32 = arith.constant 0 : i32
      %dma_start3A_33 = tpu.memref_slice %arg7[%dma_start3A_31, %dma_start3A_32] : memref<36x96xi32, #tpu.memory_space<vmem>> -> memref<1x96xi32, #tpu.memory_space<vmem>>
      %dma_start3A_34 = tpu.memref_squeeze %dma_start3A_33 : memref<1x96xi32, #tpu.memory_space<vmem>> -> memref<96xi32, #tpu.memory_space<vmem>>
      %dma_start3A_35 = arith.constant 0 : i32
      %dma_start3A_36 = arith.constant 0 : i32
      %dma_start3A_37 = tpu.memref_slice %arg2[%dma_start3A_35, %dma_start3A_36] : memref<10112x128xf32, #tpu.memory_space<hbm>> -> memref<10112x128xf32, #tpu.memory_space<hbm>>
      tpu.enqueue_indirect_dma source(%dma_start3A_37 : memref<10112x128xf32, #tpu.memory_space<hbm>>) target(%arg10 : memref<96x128xf32, #tpu.memory_space<vmem>>) offsets(%dma_start3A_34 : memref<96xi32, #tpu.memory_space<vmem>>) semaphore(%arg14 : memref<!tpu.dma_semaphore, #tpu.memory_space<semaphore_mem>>)
      %dma_start3A_38 = arith.constant 2 : i32
      %dma_start3A_39 = arith.constant 0 : i32
      %dma_start3A_40 = tpu.memref_slice %arg7[%dma_start3A_38, %dma_start3A_39] : memref<36x96xi32, #tpu.memory_space<vmem>> -> memref<1x96xi32, #tpu.memory_space<vmem>>
      %dma_start3A_41 = tpu.memref_squeeze %dma_start3A_40 : memref<1x96xi32, #tpu.memory_space<vmem>> -> memref<96xi32, #tpu.memory_space<vmem>>
      %dma_start3A_42 = arith.constant 0 : i32
      %dma_start3A_43 = arith.constant 0 : i32
      %dma_start3A_44 = tpu.memref_slice %arg2[%dma_start3A_42, %dma_start3A_43] : memref<10112x128xf32, #tpu.memory_space<hbm>> -> memref<10112x128xf32, #tpu.memory_space<hbm>>
      tpu.enqueue_indirect_dma source(%dma_start3A_44 : memref<10112x128xf32, #tpu.memory_space<hbm>>) target(%arg11 : memref<96x128xf32, #tpu.memory_space<vmem>>) offsets(%dma_start3A_41 : memref<96xi32, #tpu.memory_space<vmem>>) semaphore(%arg15 : memref<!tpu.dma_semaphore, #tpu.memory_space<semaphore_mem>>)
      %scan3A_45 = arith.constant 0 : i32
      %scan3A_46 = arith.constant 0 : i32
      %scan3A_47 = arith.constant 12 : i32
      %scan3A_48 = arith.addi %scan3A_46, %scan3A_47 : i32
      %scan3A_49 = arith.constant 1 : i32
      scf.for %scan3A_51 = %scan3A_46 to %scan3A_48 step %scan3A_49  : i32 {
        %mul3A_52 = arith.constant 3 : i32
        %mul3A_53 = arith.muli %mul3A_52, %scan3A_51 : i32
        %add3A_54 = arith.constant 0 : i32
        %add3A_55 = arith.addi %mul3A_53, %add3A_54 : i32
        %dma_wait3A = arith.constant 0 : i32
        %dma_wait3A_56 = tpu.memref_slice %arg7[%add3A_55, %dma_wait3A] : memref<36x96xi32, #tpu.memory_space<vmem>> -> memref<1x96xi32, #tpu.memory_space<vmem>>
        %dma_wait3A_57 = tpu.memref_squeeze %dma_wait3A_56 : memref<1x96xi32, #tpu.memory_space<vmem>> -> memref<96xi32, #tpu.memory_space<vmem>>
        %dma_wait3A_58 = arith.constant 0 : i32
        %dma_wait3A_59 = arith.constant 0 : i32
        %dma_wait3A_60 = tpu.memref_slice %arg2[%dma_wait3A_58, %dma_wait3A_59] : memref<10112x128xf32, #tpu.memory_space<hbm>> -> memref<10112x128xf32, #tpu.memory_space<hbm>>
        tpu.wait_indirect_dma semaphore(%arg13 : memref<!tpu.dma_semaphore, #tpu.memory_space<semaphore_mem>>) src(%dma_wait3A_60 : memref<10112x128xf32, #tpu.memory_space<hbm>>) dst(%arg9 : memref<96x128xf32, #tpu.memory_space<vmem>>)
        %add3A_61 = arith.constant 0 : i32
        %add3A_62 = arith.addi %mul3A_53, %add3A_61 : i32
        "tpu.region"() ({
          %run_scoped3A = tpu.sem_alloc : memref<!tpu.dma_semaphore, #tpu.memory_space<semaphore_mem>>
          %dma_start3A_95 = arith.constant 0 : i32
          %dma_start3A_96 = tpu.memref_slice %arg8[%add3A_62, %dma_start3A_95] : memref<36x96xi32, #tpu.memory_space<vmem>> -> memref<1x96xi32, #tpu.memory_space<vmem>>
          %dma_start3A_97 = tpu.memref_squeeze %dma_start3A_96 : memref<1x96xi32, #tpu.memory_space<vmem>> -> memref<96xi32, #tpu.memory_space<vmem>>
          %dma_start3A_98 = arith.constant 0 : i32
          %dma_start3A_99 = arith.constant 0 : i32
          %dma_start3A_100 = tpu.memref_slice %arg12[%dma_start3A_98, %dma_start3A_99] : memref<10112x128xf32, #tpu.memory_space<vmem_shared>> -> memref<10112x128xf32, #tpu.memory_space<vmem_shared>>
          tpu.enqueue_indirect_dma source(%arg9 : memref<96x128xf32, #tpu.memory_space<vmem>>) target(%dma_start3A_100 : memref<10112x128xf32, #tpu.memory_space<vmem_shared>>) offsets(%dma_start3A_97 : memref<96xi32, #tpu.memory_space<vmem>>) semaphore(%run_scoped3A : memref<!tpu.dma_semaphore, #tpu.memory_space<semaphore_mem>>) {add = true}
          %dma_wait3A_101 = arith.constant 0 : i32
          %dma_wait3A_102 = tpu.memref_slice %arg8[%add3A_62, %dma_wait3A_101] : memref<36x96xi32, #tpu.memory_space<vmem>> -> memref<1x96xi32, #tpu.memory_space<vmem>>
          %dma_wait3A_103 = tpu.memref_squeeze %dma_wait3A_102 : memref<1x96xi32, #tpu.memory_space<vmem>> -> memref<96xi32, #tpu.memory_space<vmem>>
          %dma_wait3A_104 = arith.constant 0 : i32
          %dma_wait3A_105 = arith.constant 0 : i32
          %dma_wait3A_106 = tpu.memref_slice %arg12[%dma_wait3A_104, %dma_wait3A_105] : memref<10112x128xf32, #tpu.memory_space<vmem_shared>> -> memref<10112x128xf32, #tpu.memory_space<vmem_shared>>
          tpu.wait_indirect_dma semaphore(%run_scoped3A : memref<!tpu.dma_semaphore, #tpu.memory_space<semaphore_mem>>) src(%arg9 : memref<96x128xf32, #tpu.memory_space<vmem>>) dst(%dma_wait3A_106 : memref<10112x128xf32, #tpu.memory_space<vmem_shared>>)
          tpu.yield
        }) : () -> ()
        %lt3A = arith.constant 11 : i32
        %lt3A_63 = arith.cmpi slt, %scan3A_51, %lt3A : i32
        %convert_element_type3A = arith.extui %lt3A_63 : i1 to i32
        %cond3A = arith.constant 0 : i32
        %cond3A_64 = arith.cmpi ne, %convert_element_type3A, %cond3A : i32
        scf.if %cond3A_64 {
          %add3A_95 = arith.constant 0 : i32
          %add3A_96 = arith.addi %mul3A_53, %add3A_95 : i32
          %add3A_97 = arith.constant 3 : i32
          %add3A_98 = arith.addi %add3A_96, %add3A_97 : i32
          %dma_start3A_99 = arith.constant 0 : i32
          %dma_start3A_100 = tpu.memref_slice %arg7[%add3A_98, %dma_start3A_99] : memref<36x96xi32, #tpu.memory_space<vmem>> -> memref<1x96xi32, #tpu.memory_space<vmem>>
          %dma_start3A_101 = tpu.memref_squeeze %dma_start3A_100 : memref<1x96xi32, #tpu.memory_space<vmem>> -> memref<96xi32, #tpu.memory_space<vmem>>
          %dma_start3A_102 = arith.constant 0 : i32
          %dma_start3A_103 = arith.constant 0 : i32
          %dma_start3A_104 = tpu.memref_slice %arg2[%dma_start3A_102, %dma_start3A_103] : memref<10112x128xf32, #tpu.memory_space<hbm>> -> memref<10112x128xf32, #tpu.memory_space<hbm>>
          tpu.enqueue_indirect_dma source(%dma_start3A_104 : memref<10112x128xf32, #tpu.memory_space<hbm>>) target(%arg9 : memref<96x128xf32, #tpu.memory_space<vmem>>) offsets(%dma_start3A_101 : memref<96xi32, #tpu.memory_space<vmem>>) semaphore(%arg13 : memref<!tpu.dma_semaphore, #tpu.memory_space<semaphore_mem>>)
        } else {
        }
        %add3A_65 = arith.constant 1 : i32
        %add3A_66 = arith.addi %mul3A_53, %add3A_65 : i32
        %dma_wait3A_67 = arith.constant 0 : i32
        %dma_wait3A_68 = tpu.memref_slice %arg7[%add3A_66, %dma_wait3A_67] : memref<36x96xi32, #tpu.memory_space<vmem>> -> memref<1x96xi32, #tpu.memory_space<vmem>>
        %dma_wait3A_69 = tpu.memref_squeeze %dma_wait3A_68 : memref<1x96xi32, #tpu.memory_space<vmem>> -> memref<96xi32, #tpu.memory_space<vmem>>
        %dma_wait3A_70 = arith.constant 0 : i32
        %dma_wait3A_71 = arith.constant 0 : i32
        %dma_wait3A_72 = tpu.memref_slice %arg2[%dma_wait3A_70, %dma_wait3A_71] : memref<10112x128xf32, #tpu.memory_space<hbm>> -> memref<10112x128xf32, #tpu.memory_space<hbm>>
        tpu.wait_indirect_dma semaphore(%arg14 : memref<!tpu.dma_semaphore, #tpu.memory_space<semaphore_mem>>) src(%dma_wait3A_72 : memref<10112x128xf32, #tpu.memory_space<hbm>>) dst(%arg10 : memref<96x128xf32, #tpu.memory_space<vmem>>)
        %add3A_73 = arith.constant 1 : i32
        %add3A_74 = arith.addi %mul3A_53, %add3A_73 : i32
        "tpu.region"() ({
          %run_scoped3A = tpu.sem_alloc : memref<!tpu.dma_semaphore, #tpu.memory_space<semaphore_mem>>
          %dma_start3A_95 = arith.constant 0 : i32
          %dma_start3A_96 = tpu.memref_slice %arg8[%add3A_74, %dma_start3A_95] : memref<36x96xi32, #tpu.memory_space<vmem>> -> memref<1x96xi32, #tpu.memory_space<vmem>>
          %dma_start3A_97 = tpu.memref_squeeze %dma_start3A_96 : memref<1x96xi32, #tpu.memory_space<vmem>> -> memref<96xi32, #tpu.memory_space<vmem>>
          %dma_start3A_98 = arith.constant 0 : i32
          %dma_start3A_99 = arith.constant 0 : i32
          %dma_start3A_100 = tpu.memref_slice %arg12[%dma_start3A_98, %dma_start3A_99] : memref<10112x128xf32, #tpu.memory_space<vmem_shared>> -> memref<10112x128xf32, #tpu.memory_space<vmem_shared>>
          tpu.enqueue_indirect_dma source(%arg10 : memref<96x128xf32, #tpu.memory_space<vmem>>) target(%dma_start3A_100 : memref<10112x128xf32, #tpu.memory_space<vmem_shared>>) offsets(%dma_start3A_97 : memref<96xi32, #tpu.memory_space<vmem>>) semaphore(%run_scoped3A : memref<!tpu.dma_semaphore, #tpu.memory_space<semaphore_mem>>) {add = true}
          %dma_wait3A_101 = arith.constant 0 : i32
          %dma_wait3A_102 = tpu.memref_slice %arg8[%add3A_74, %dma_wait3A_101] : memref<36x96xi32, #tpu.memory_space<vmem>> -> memref<1x96xi32, #tpu.memory_space<vmem>>
          %dma_wait3A_103 = tpu.memref_squeeze %dma_wait3A_102 : memref<1x96xi32, #tpu.memory_space<vmem>> -> memref<96xi32, #tpu.memory_space<vmem>>
          %dma_wait3A_104 = arith.constant 0 : i32
          %dma_wait3A_105 = arith.constant 0 : i32
          %dma_wait3A_106 = tpu.memref_slice %arg12[%dma_wait3A_104, %dma_wait3A_105] : memref<10112x128xf32, #tpu.memory_space<vmem_shared>> -> memref<10112x128xf32, #tpu.memory_space<vmem_shared>>
          tpu.wait_indirect_dma semaphore(%run_scoped3A : memref<!tpu.dma_semaphore, #tpu.memory_space<semaphore_mem>>) src(%arg10 : memref<96x128xf32, #tpu.memory_space<vmem>>) dst(%dma_wait3A_106 : memref<10112x128xf32, #tpu.memory_space<vmem_shared>>)
          tpu.yield
        }) : () -> ()
        %lt3A_75 = arith.constant 11 : i32
        %lt3A_76 = arith.cmpi slt, %scan3A_51, %lt3A_75 : i32
        %convert_element_type3A_77 = arith.extui %lt3A_76 : i1 to i32
        %cond3A_78 = arith.constant 0 : i32
        %cond3A_79 = arith.cmpi ne, %convert_element_type3A_77, %cond3A_78 : i32
        scf.if %cond3A_79 {
          %add3A_95 = arith.constant 1 : i32
          %add3A_96 = arith.addi %mul3A_53, %add3A_95 : i32
          %add3A_97 = arith.constant 3 : i32
          %add3A_98 = arith.addi %add3A_96, %add3A_97 : i32
          %dma_start3A_99 = arith.constant 0 : i32
          %dma_start3A_100 = tpu.memref_slice %arg7[%add3A_98, %dma_start3A_99] : memref<36x96xi32, #tpu.memory_space<vmem>> -> memref<1x96xi32, #tpu.memory_space<vmem>>
          %dma_start3A_101 = tpu.memref_squeeze %dma_start3A_100 : memref<1x96xi32, #tpu.memory_space<vmem>> -> memref<96xi32, #tpu.memory_space<vmem>>
          %dma_start3A_102 = arith.constant 0 : i32
          %dma_start3A_103 = arith.constant 0 : i32
          %dma_start3A_104 = tpu.memref_slice %arg2[%dma_start3A_102, %dma_start3A_103] : memref<10112x128xf32, #tpu.memory_space<hbm>> -> memref<10112x128xf32, #tpu.memory_space<hbm>>
          tpu.enqueue_indirect_dma source(%dma_start3A_104 : memref<10112x128xf32, #tpu.memory_space<hbm>>) target(%arg10 : memref<96x128xf32, #tpu.memory_space<vmem>>) offsets(%dma_start3A_101 : memref<96xi32, #tpu.memory_space<vmem>>) semaphore(%arg14 : memref<!tpu.dma_semaphore, #tpu.memory_space<semaphore_mem>>)
        } else {
        }
        %add3A_80 = arith.constant 2 : i32
        %add3A_81 = arith.addi %mul3A_53, %add3A_80 : i32
        %dma_wait3A_82 = arith.constant 0 : i32
        %dma_wait3A_83 = tpu.memref_slice %arg7[%add3A_81, %dma_wait3A_82] : memref<36x96xi32, #tpu.memory_space<vmem>> -> memref<1x96xi32, #tpu.memory_space<vmem>>
        %dma_wait3A_84 = tpu.memref_squeeze %dma_wait3A_83 : memref<1x96xi32, #tpu.memory_space<vmem>> -> memref<96xi32, #tpu.memory_space<vmem>>
        %dma_wait3A_85 = arith.constant 0 : i32
        %dma_wait3A_86 = arith.constant 0 : i32
        %dma_wait3A_87 = tpu.memref_slice %arg2[%dma_wait3A_85, %dma_wait3A_86] : memref<10112x128xf32, #tpu.memory_space<hbm>> -> memref<10112x128xf32, #tpu.memory_space<hbm>>
        tpu.wait_indirect_dma semaphore(%arg15 : memref<!tpu.dma_semaphore, #tpu.memory_space<semaphore_mem>>) src(%dma_wait3A_87 : memref<10112x128xf32, #tpu.memory_space<hbm>>) dst(%arg11 : memref<96x128xf32, #tpu.memory_space<vmem>>)
        %add3A_88 = arith.constant 2 : i32
        %add3A_89 = arith.addi %mul3A_53, %add3A_88 : i32
        "tpu.region"() ({
          %run_scoped3A = tpu.sem_alloc : memref<!tpu.dma_semaphore, #tpu.memory_space<semaphore_mem>>
          %dma_start3A_95 = arith.constant 0 : i32
          %dma_start3A_96 = tpu.memref_slice %arg8[%add3A_89, %dma_start3A_95] : memref<36x96xi32, #tpu.memory_space<vmem>> -> memref<1x96xi32, #tpu.memory_space<vmem>>
          %dma_start3A_97 = tpu.memref_squeeze %dma_start3A_96 : memref<1x96xi32, #tpu.memory_space<vmem>> -> memref<96xi32, #tpu.memory_space<vmem>>
          %dma_start3A_98 = arith.constant 0 : i32
          %dma_start3A_99 = arith.constant 0 : i32
          %dma_start3A_100 = tpu.memref_slice %arg12[%dma_start3A_98, %dma_start3A_99] : memref<10112x128xf32, #tpu.memory_space<vmem_shared>> -> memref<10112x128xf32, #tpu.memory_space<vmem_shared>>
          tpu.enqueue_indirect_dma source(%arg11 : memref<96x128xf32, #tpu.memory_space<vmem>>) target(%dma_start3A_100 : memref<10112x128xf32, #tpu.memory_space<vmem_shared>>) offsets(%dma_start3A_97 : memref<96xi32, #tpu.memory_space<vmem>>) semaphore(%run_scoped3A : memref<!tpu.dma_semaphore, #tpu.memory_space<semaphore_mem>>) {add = true}
          %dma_wait3A_101 = arith.constant 0 : i32
          %dma_wait3A_102 = tpu.memref_slice %arg8[%add3A_89, %dma_wait3A_101] : memref<36x96xi32, #tpu.memory_space<vmem>> -> memref<1x96xi32, #tpu.memory_space<vmem>>
          %dma_wait3A_103 = tpu.memref_squeeze %dma_wait3A_102 : memref<1x96xi32, #tpu.memory_space<vmem>> -> memref<96xi32, #tpu.memory_space<vmem>>
          %dma_wait3A_104 = arith.constant 0 : i32
          %dma_wait3A_105 = arith.constant 0 : i32
          %dma_wait3A_106 = tpu.memref_slice %arg12[%dma_wait3A_104, %dma_wait3A_105] : memref<10112x128xf32, #tpu.memory_space<vmem_shared>> -> memref<10112x128xf32, #tpu.memory_space<vmem_shared>>
          tpu.wait_indirect_dma semaphore(%run_scoped3A : memref<!tpu.dma_semaphore, #tpu.memory_space<semaphore_mem>>) src(%arg11 : memref<96x128xf32, #tpu.memory_space<vmem>>) dst(%dma_wait3A_106 : memref<10112x128xf32, #tpu.memory_space<vmem_shared>>)
          tpu.yield
        }) : () -> ()
        %lt3A_90 = arith.constant 11 : i32
        %lt3A_91 = arith.cmpi slt, %scan3A_51, %lt3A_90 : i32
        %convert_element_type3A_92 = arith.extui %lt3A_91 : i1 to i32
        %cond3A_93 = arith.constant 0 : i32
        %cond3A_94 = arith.cmpi ne, %convert_element_type3A_92, %cond3A_93 : i32
        scf.if %cond3A_94 {
          %add3A_95 = arith.constant 2 : i32
          %add3A_96 = arith.addi %mul3A_53, %add3A_95 : i32
          %add3A_97 = arith.constant 3 : i32
          %add3A_98 = arith.addi %add3A_96, %add3A_97 : i32
          %dma_start3A_99 = arith.constant 0 : i32
          %dma_start3A_100 = tpu.memref_slice %arg7[%add3A_98, %dma_start3A_99] : memref<36x96xi32, #tpu.memory_space<vmem>> -> memref<1x96xi32, #tpu.memory_space<vmem>>
          %dma_start3A_101 = tpu.memref_squeeze %dma_start3A_100 : memref<1x96xi32, #tpu.memory_space<vmem>> -> memref<96xi32, #tpu.memory_space<vmem>>
          %dma_start3A_102 = arith.constant 0 : i32
          %dma_start3A_103 = arith.constant 0 : i32
          %dma_start3A_104 = tpu.memref_slice %arg2[%dma_start3A_102, %dma_start3A_103] : memref<10112x128xf32, #tpu.memory_space<hbm>> -> memref<10112x128xf32, #tpu.memory_space<hbm>>
          tpu.enqueue_indirect_dma source(%dma_start3A_104 : memref<10112x128xf32, #tpu.memory_space<hbm>>) target(%arg11 : memref<96x128xf32, #tpu.memory_space<vmem>>) offsets(%dma_start3A_101 : memref<96xi32, #tpu.memory_space<vmem>>) semaphore(%arg15 : memref<!tpu.dma_semaphore, #tpu.memory_space<semaphore_mem>>)
        } else {
        }
      }
      %scan3A_50 = arith.constant 12 : i32
    }
    %scan3A_9 = arith.constant 3 : i32
    %barrier3A_10 = arith.constant 0 : index
    tpu.barrier barrier_id(%barrier3A_10)
    %mul3A_11 = arith.constant 632 : i32
    %mul3A_12 = arith.muli %arg1, %mul3A_11 : i32
    %mul3A_13 = arith.constant 10112 : i32
    %mul3A_14 = arith.muli %arg0, %mul3A_13 : i32
    %mul3A_15 = arith.constant 632 : i32
    %mul3A_16 = arith.muli %arg1, %mul3A_15 : i32
    %add3A_17 = arith.addi %mul3A_14, %mul3A_16 : i32
    "tpu.region"() ({
      %run_scoped3A = tpu.sem_alloc : memref<!tpu.dma_semaphore, #tpu.memory_space<semaphore_mem>>
      %dma_start3A = arith.constant 0 : i32
      %dma_start3A_18 = tpu.memref_slice %arg6[%add3A_17, %dma_start3A] : memref<20224x128xf32, #tpu.memory_space<hbm>> -> memref<632x128xf32, #tpu.memory_space<hbm>>
      %dma_start3A_19 = arith.constant 0 : i32
      %dma_start3A_20 = tpu.memref_slice %arg12[%mul3A_12, %dma_start3A_19] : memref<10112x128xf32, #tpu.memory_space<vmem_shared>> -> memref<632x128xf32, #tpu.memory_space<vmem_shared>>
      tpu.enqueue_dma source(%dma_start3A_20 : memref<632x128xf32, #tpu.memory_space<vmem_shared>>) target(%dma_start3A_18 : memref<632x128xf32, #tpu.memory_space<hbm>>) target_semaphore(%run_scoped3A : memref<!tpu.dma_semaphore, #tpu.memory_space<semaphore_mem>>)
      %dma_wait3A = arith.constant 0 : i32
      %dma_wait3A_21 = tpu.memref_slice %arg6[%add3A_17, %dma_wait3A] : memref<20224x128xf32, #tpu.memory_space<hbm>> -> memref<632x128xf32, #tpu.memory_space<hbm>>
      %dma_wait3A_22 = arith.constant 0 : i32
      %dma_wait3A_23 = tpu.memref_slice %arg12[%mul3A_12, %dma_wait3A_22] : memref<10112x128xf32, #tpu.memory_space<vmem_shared>> -> memref<632x128xf32, #tpu.memory_space<vmem_shared>>
      tpu.wait_dma2 semaphore(%run_scoped3A : memref<!tpu.dma_semaphore, #tpu.memory_space<semaphore_mem>>) src(%dma_wait3A_23 : memref<632x128xf32, #tpu.memory_space<vmem_shared>>) dst(%dma_wait3A_21 : memref<632x128xf32, #tpu.memory_space<hbm>>)
      tpu.yield
    }) : () -> ()
    return
  }
}

module attributes {stable_mosaic.version = 14 : i64} {
  func.func @body(%arg0: memref<10000x128xf32, #tpu.memory_space<vmem>>, %arg1: memref<128x128xf32, #tpu.memory_space<vmem>>, %arg2: memref<20224x1xf32, #tpu.memory_space<vmem>>, %arg3: memref<10112x128xf32, #tpu.memory_space<vmem>>, %arg4: memref<10112x1xf32, #tpu.memory_space<vmem>>) attributes {dimension_semantics = [], scalar_prefetch = 0 : i64, scratch_operands = 0 : i64, tpu.core_type = #tpu.core_type<tc>} {
    %get3A = arith.constant 0 : index
    %get3A_0 = arith.constant 0 : index
    %get3A_1 = vector.load %arg2[%get3A, %get3A_0] : memref<20224x1xf32, #tpu.memory_space<vmem>>, vector<10112x1xf32>
    %get3A_2 = arith.constant 10112 : index
    %get3A_3 = arith.constant 0 : index
    %get3A_4 = vector.load %arg2[%get3A_2, %get3A_3] : memref<20224x1xf32, #tpu.memory_space<vmem>>, vector<10112x1xf32>
    %add3A = arith.addf %get3A_1, %get3A_4 : vector<10112x1xf32>
    %rsqrt3A = math.rsqrt %add3A : vector<10112x1xf32>
    %swap3A = arith.constant 0 : index
    %swap3A_5 = arith.constant 0 : index
    %swap3A_6 = vector.load %arg4[%swap3A, %swap3A_5] : memref<10112x1xf32, #tpu.memory_space<vmem>>, vector<10112x1xf32>
    tpu.vector_store %arg4[%swap3A, %swap3A_5], %rsqrt3A {strides = array<i32>} : memref<10112x1xf32, #tpu.memory_space<vmem>>, vector<10112x1xf32>,
    %get3A_7 = arith.constant 0 : index
    %get3A_8 = arith.constant 0 : index
    %get3A_9 = vector.load %arg0[%get3A_7, %get3A_8] : memref<10000x128xf32, #tpu.memory_space<vmem>>, vector<10000x128xf32>
    %get3A_10 = arith.constant 0 : index
    %get3A_11 = arith.constant 0 : index
    %get3A_12 = vector.load %arg1[%get3A_10, %get3A_11] : memref<128x128xf32, #tpu.memory_space<vmem>>, vector<128x128xf32>
    %dot_general3A = arith.constant dense<0.000000e+00> : vector<10000x128xf32>
    %dot_general3A_13 = tpu.matmul %get3A_9, %get3A_12, %dot_general3A {dimension_numbers = #tpu.dot_dimension_numbers<[1], [0], [0], [1], [0, 0, 1, 1], [], []>, transpose_lhs_hint = false} : vector<10000x128xf32>, vector<128x128xf32>, vector<10000x128xf32> -> vector<10000x128xf32>
    %slice3A = vector.extract_strided_slice %rsqrt3A {offsets = [0, 0], sizes = [10000, 1], strides = [1, 1]} : vector<10112x1xf32> to vector<10000x1xf32>
    %mul3A = vector.broadcast %slice3A : vector<10000x1xf32> to vector<10000x128xf32>
    %mul3A_14 = arith.mulf %dot_general3A_13, %mul3A : vector<10000x128xf32>
    %swap3A_15 = arith.constant 0 : index
    %swap3A_16 = arith.constant 0 : index
    %swap3A_17 = vector.load %arg3[%swap3A_15, %swap3A_16] : memref<10112x128xf32, #tpu.memory_space<vmem>>, vector<10000x128xf32>
    tpu.vector_store %arg3[%swap3A_15, %swap3A_16], %mul3A_14 {strides = array<i32>} : memref<10112x128xf32, #tpu.memory_space<vmem>>, vector<10000x128xf32>,
    %broadcast_in_dim3A = arith.constant 0.000000e+00 : f32
    %broadcast_in_dim3A_18 = vector.broadcast %broadcast_in_dim3A : f32 to vector<112x128xf32>
    %swap3A_19 = arith.constant 10000 : index
    %swap3A_20 = arith.constant 0 : index
    %swap3A_21 = vector.load %arg3[%swap3A_19, %swap3A_20] : memref<10112x128xf32, #tpu.memory_space<vmem>>, vector<112x128xf32>
    tpu.vector_store %arg3[%swap3A_19, %swap3A_20], %broadcast_in_dim3A_18 {strides = array<i32>} : memref<10112x128xf32, #tpu.memory_space<vmem>>, vector<112x128xf32>,
    return
  }
}

module attributes {stable_mosaic.version = 14 : i64} {
  func.func @body(%arg0: memref<20224x128xf32, #tpu.memory_space<vmem>>, %arg1: memref<10112x1xf32, #tpu.memory_space<vmem>>, %arg2: memref<128x64xf32, #tpu.memory_space<vmem>>, %arg3: memref<1x128xf32, #tpu.memory_space<vmem>>, %arg4: memref<10112x128xf32, #tpu.memory_space<vmem>>) attributes {dimension_semantics = [], scalar_prefetch = 0 : i64, scratch_operands = 0 : i64, tpu.core_type = #tpu.core_type<tc>} {
    %get3A = arith.constant 0 : index
    %get3A_0 = arith.constant 0 : index
    %get3A_1 = vector.load %arg0[%get3A, %get3A_0] : memref<20224x128xf32, #tpu.memory_space<vmem>>, vector<10000x128xf32>
    %get3A_2 = arith.constant 10112 : index
    %get3A_3 = arith.constant 0 : index
    %get3A_4 = vector.load %arg0[%get3A_2, %get3A_3] : memref<20224x128xf32, #tpu.memory_space<vmem>>, vector<10000x128xf32>
    %add3A = arith.addf %get3A_1, %get3A_4 : vector<10000x128xf32>
    %get3A_5 = arith.constant 0 : index
    %get3A_6 = arith.constant 0 : index
    %get3A_7 = vector.load %arg1[%get3A_5, %get3A_6] : memref<10112x1xf32, #tpu.memory_space<vmem>>, vector<10000x1xf32>
    %mul3A = vector.broadcast %get3A_7 : vector<10000x1xf32> to vector<10000x128xf32>
    %mul3A_8 = arith.mulf %add3A, %mul3A : vector<10000x128xf32>
    %get3A_9 = arith.constant 0 : index
    %get3A_10 = arith.constant 0 : index
    %get3A_11 = vector.load %arg3[%get3A_9, %get3A_10] : memref<1x128xf32, #tpu.memory_space<vmem>>, vector<1x128xf32>
    %add3A_12 = vector.broadcast %get3A_11 : vector<1x128xf32> to vector<10000x128xf32>
    %add3A_13 = arith.addf %mul3A_8, %add3A_12 : vector<10000x128xf32>
    %max3A = arith.constant 0.000000e+00 : f32
    %max3A_14 = vector.broadcast %max3A : f32 to vector<10000x128xf32>
    %max3A_15 = arith.maximumf %add3A_13, %max3A_14 : vector<10000x128xf32>
    %get3A_16 = arith.constant 0 : index
    %get3A_17 = arith.constant 0 : index
    %get3A_18 = vector.load %arg2[%get3A_16, %get3A_17] : memref<128x64xf32, #tpu.memory_space<vmem>>, vector<128x64xf32>
    %dot_general3A = arith.constant dense<0.000000e+00> : vector<10000x64xf32>
    %dot_general3A_19 = tpu.matmul %max3A_15, %get3A_18, %dot_general3A {dimension_numbers = #tpu.dot_dimension_numbers<[1], [0], [0], [1], [0, 0, 1, 1], [], []>, transpose_lhs_hint = false} : vector<10000x128xf32>, vector<128x64xf32>, vector<10000x64xf32> -> vector<10000x64xf32>
    %mul3A_20 = vector.broadcast %get3A_7 : vector<10000x1xf32> to vector<10000x64xf32>
    %mul3A_21 = arith.mulf %dot_general3A_19, %mul3A_20 : vector<10000x64xf32>
    %swap3A = arith.constant 0 : index
    %swap3A_22 = arith.constant 0 : index
    %swap3A_23 = vector.load %arg4[%swap3A, %swap3A_22] : memref<10112x128xf32, #tpu.memory_space<vmem>>, vector<10000x64xf32>
    tpu.vector_store %arg4[%swap3A, %swap3A_22], %mul3A_21 {strides = array<i32>} : memref<10112x128xf32, #tpu.memory_space<vmem>>, vector<10000x64xf32>,
    %broadcast_in_dim3A = arith.constant 0.000000e+00 : f32
    %broadcast_in_dim3A_24 = vector.broadcast %broadcast_in_dim3A : f32 to vector<10000x64xf32>
    %swap3A_25 = arith.constant 0 : index
    %swap3A_26 = arith.constant 64 : index
    %swap3A_27 = vector.load %arg4[%swap3A_25, %swap3A_26] : memref<10112x128xf32, #tpu.memory_space<vmem>>, vector<10000x64xf32>
    tpu.vector_store %arg4[%swap3A_25, %swap3A_26], %broadcast_in_dim3A_24 {strides = array<i32>} : memref<10112x128xf32, #tpu.memory_space<vmem>>, vector<10000x64xf32>,
    %broadcast_in_dim3A_28 = arith.constant 0.000000e+00 : f32
    %broadcast_in_dim3A_29 = vector.broadcast %broadcast_in_dim3A_28 : f32 to vector<112x128xf32>
    %swap3A_30 = arith.constant 10000 : index
    %swap3A_31 = arith.constant 0 : index
    %swap3A_32 = vector.load %arg4[%swap3A_30, %swap3A_31] : memref<10112x128xf32, #tpu.memory_space<vmem>>, vector<112x128xf32>
    tpu.vector_store %arg4[%swap3A_30, %swap3A_31], %broadcast_in_dim3A_29 {strides = array<i32>} : memref<10112x128xf32, #tpu.memory_space<vmem>>, vector<112x128xf32>,
    return
  }
}

module attributes {stable_mosaic.version = 14 : i64} {
  func.func @body(%arg0: memref<20224x128xf32, #tpu.memory_space<vmem>>, %arg1: memref<10112x1xf32, #tpu.memory_space<vmem>>, %arg2: memref<1x64xf32, #tpu.memory_space<vmem>>, %arg3: memref<10000x64xf32, #tpu.memory_space<vmem>>) attributes {dimension_semantics = [], scalar_prefetch = 0 : i64, scratch_operands = 0 : i64, tpu.core_type = #tpu.core_type<tc>} {
    %get3A = arith.constant 0 : index
    %get3A_0 = arith.constant 0 : index
    %get3A_1 = vector.load %arg0[%get3A, %get3A_0] : memref<20224x128xf32, #tpu.memory_space<vmem>>, vector<10000x64xf32>
    %get3A_2 = arith.constant 10112 : index
    %get3A_3 = arith.constant 0 : index
    %get3A_4 = vector.load %arg0[%get3A_2, %get3A_3] : memref<20224x128xf32, #tpu.memory_space<vmem>>, vector<10000x64xf32>
    %add3A = arith.addf %get3A_1, %get3A_4 : vector<10000x64xf32>
    %get3A_5 = arith.constant 0 : index
    %get3A_6 = arith.constant 0 : index
    %get3A_7 = vector.load %arg1[%get3A_5, %get3A_6] : memref<10112x1xf32, #tpu.memory_space<vmem>>, vector<10000x1xf32>
    %mul3A = vector.broadcast %get3A_7 : vector<10000x1xf32> to vector<10000x64xf32>
    %mul3A_8 = arith.mulf %add3A, %mul3A : vector<10000x64xf32>
    %get3A_9 = arith.constant 0 : index
    %get3A_10 = arith.constant 0 : index
    %get3A_11 = vector.load %arg2[%get3A_9, %get3A_10] : memref<1x64xf32, #tpu.memory_space<vmem>>, vector<1x64xf32>
    %add3A_12 = vector.broadcast %get3A_11 : vector<1x64xf32> to vector<10000x64xf32>
    %add3A_13 = arith.addf %mul3A_8, %add3A_12 : vector<10000x64xf32>
    %max3A = arith.constant 0.000000e+00 : f32
    %max3A_14 = vector.broadcast %max3A : f32 to vector<10000x64xf32>
    %max3A_15 = arith.maximumf %add3A_13, %max3A_14 : vector<10000x64xf32>
    %swap3A = arith.constant 0 : index
    %swap3A_16 = arith.constant 0 : index
    %swap3A_17 = vector.load %arg3[%swap3A, %swap3A_16] : memref<10000x64xf32, #tpu.memory_space<vmem>>, vector<10000x64xf32>
    tpu.vector_store %arg3[%swap3A, %swap3A_16], %max3A_15 {strides = array<i32>} : memref<10000x64xf32, #tpu.memory_space<vmem>>, vector<10000x64xf32>,
    return
  }
}

</mosaic_0001>

<sc_bundles>
// kernel: kernel.11.cloned.1.call-start
scs
__scs_entry_jumppad:
0x0: {  	(pc) =	sbr.rel $0x88, $3  }
0x1: {  	(tag) =	ssettag $0x0;
	lr =	simm.s32 $0x1  }
0x2: {  	[smem:$0x3F9B] =	sst lr;
	_ =	strace $0xD0000000  }
0x3: {  	_ = 	snop  }
0x4: {  	_ = 	snop  }
0x5: {  	_ = 	snop  }
0x6: {  	_ = 	snop  }
0x7: {  	_ = 	snop  }
__scs_overlays_trampoline_lowered:
0x8: {  	[smem:$0x3FAA] =	sst s0  }
0x9: {  	[smem:$0x3FAB] =	sst s1  }
0xa: {  	[smem:$0x3FAC] =	sst s2  }
0xb: {  	[smem:$0x3FAD] =	sst s3  }
0xc: {  	[smem:$0x3FAE] =	sst s4  }
0xd: {  	[smem:$0x3FAF] =	sst s5  }
0xe: {  	[smem:$0x3FB0] =	sst s6  }
0xf: {  	[smem:$0x3FB1] =	sst s7  }
0x10: {  	[smem:$0x3FB2] =	sst s8  }
0x11: {  	[smem:$0x3FB3] =	sst s9;
	s0 =	simm.s32 @!p0 $0x0  }
0x12: {  	s1 =	sld [smem:$0x3F99];
	s0 =	simm.s32 @p0 $0x1  }
0x13: {  	[smem:$0x3FB4] =	sst s0;
	s0 =	simm.s32 @!p1 $0x0  }
0x14: {  	s2 =	sld [smem:$0x3F98];
	s0 =	simm.s32 @p1 $0x1  }
0x15: {  	[smem:$0x3FB5] =	sst s0;
	s0 =	simm.s32 @!p2 $0x0  }
0x16: {  	s3 =	sld [smem:$0x3FDB];
	s0 =	simm.s32 @p2 $0x1  }
0x17: {  	s4 =	simm.s32 $0x1BF5;
	[smem:$0x3FB7] =	sst s0  }
0x18: {  	s0 =	sld [smem:$0x3F9A];
	_ =	swait.ge [sflag:s4], $0x0  }
0x19: {  	s7 =	sld [smem:$0x3F9B]  }
0x1a: {  	s8 =	sadd.s32 $0xFFFFE003, lr  }
0x1b: {  	s9 =	sadd.s32 $0xFFFFFEF7, lr;
	s5 =	simm.s32 $0xFFFFFFFF;
	p2 =	slt.u32 s8, $0xFFFFF086  }
0x1c: {  	p1 =	slt.u32 s9, $0xF7A;
	s5 =	simm.s32 @!p2 $0x0  }
0x1d: {  	s5 =	simm.s32 @p1 $0x1;
	p0 =	seq.s32 s7, s2  }
0x1e: {  	s7 =	smul.u32 @!p0 $0xF7A, s2;
	p2 =	seq.s32 @!p0 s5, $0x0  }
0x1f: {  	s9 =	smul.u32 $0xF7A, s1;
	s8 =	simm.s32 @!p0 $0x1BF5;
	p2 =	por !p2, p0  }
0x20: {  	[sflag:s8] =	ssyncset.s32 @!p0 $0xFFFFF086;
	s6 =	sadd.s32 @!p0 s3, s7;
	s7 =	simm.s32 @!p0 $0x108  }
0x21: {  	s3 =	sadd.s32 s3, s9;
	s6 =	sadd.s32 @!p0 $0x88, s6;
	s7 =	simm.s32 @p2 $0x1082  }
0x22: {  	[simem:s7], [sflag:s8] =	dma.local @!p0 [hbm:s6], $0xF7A  }
0x23: {  	s9 =	sor.u32 $0xD0000000, s2;
	s6 =	simm.s32 $0x108;
	_ =	swait.ge @!p0 [sflag:s8], $0x0  }
0x24: {  	s3 =	sadd.s32 $0x88, s3;
	s6 =	simm.s32 @!p1 $0x1082;
	[sflag:s4] =	ssyncset.s32 $0xFFFFF086  }
0x25: {  	[simem:s6], [sflag:s4] =	dma.local [hbm:s3], $0xF7A  }
0x26: {  	[smem:$0x3F9B] =	sst s1;
	(tag) =	ssettag s2;
	_ =	strace s9  }
0x27: {  	s1 =	sld [smem:$0x3FAB]  }
0x28: {  	s2 =	sld [smem:$0x3FAC]  }
0x29: {  	s4 =	sld [smem:$0x3FAE]  }
0x2a: {  	p0 =	seq.s32 s5, $0x0;
	s5 =	sld [smem:$0x3FAF]  }
0x2b: {  	s6 =	sld [smem:$0x3FB0]  }
0x2c: {  	s7 =	sld [smem:$0x3FB1]  }
0x2d: {  	s3 =	simm.s32 $0x108;
	s8 =	sld [smem:$0x3FB2]  }
0x2e: {  	s3 =	simm.s32 @!p0 $0x1082;
	s9 =	sld [smem:$0x3FB3]  }
0x2f: {  	lr =	sadd.s32 s0, s3;
	s0 =	sld [smem:$0x3FAA]  }
0x30: {  	s3 =	sld [smem:$0x3FAD]  }
0x31: {  	[smem:$0x3FB6] =	sst s10  }
0x32: {  	s10 =	sld [smem:$0x3FB4];
	_ =	sdelay $0x3  }
0x33: {  	p0 =	seq.s32 s10, $0x1;
	s10 =	sld [smem:$0x3FB6];
	_ =	sdelay $0x3  }
0x34: {  	[smem:$0x3FB6] =	sst s10  }
0x35: {  	s10 =	sld [smem:$0x3FB5];
	_ =	sdelay $0x3  }
0x36: {  	p1 =	seq.s32 s10, $0x1;
	s10 =	sld [smem:$0x3FB6];
	_ =	sdelay $0x3  }
0x37: {  	[smem:$0x3FB6] =	sst s10  }
0x38: {  	s10 =	sld [smem:$0x3FB7]  }
0x39: {  	_ = 	snop;
	(pc) =	sbr.ind lr, $3  }
0x3a: {  	_ = 	snop  }
0x3b: {  	_ = 	snop  }
0x3c: {  	p2 =	seq.s32 s10, $0x1;
	s10 =	sld [smem:$0x3FB6]  }
0x3d: {  	_ =	shalt  }
0x3e: {  	_ =	shalt  }
0x3f: {  	_ =	shalt  }
0x40: {  	_ =	shalt  }
0x41: {  	_ =	shalt  }
0x42: {  	_ =	shalt  }
0x43: {  	_ =	shalt  }
0x44: {  	_ =	shalt  }
0x45: {  	_ =	shalt  }
0x46: {  	_ =	shalt  }
0x47: {  	_ =	shalt  }
0x48: {  	_ =	shalt  }
0x49: {  	_ =	shalt  }
0x4a: {  	_ =	shalt  }
0x4b: {  	_ =	shalt  }
0x4c: {  	_ =	shalt  }
0x4d: {  	_ =	shalt  }
0x4e: {  	_ =	shalt  }
0x4f: {  	_ =	shalt  }
0x50: {  	_ =	shalt  }
0x51: {  	_ =	shalt  }
0x52: {  	_ =	shalt  }
0x53: {  	_ =	shalt  }
0x54: {  	_ =	shalt  }
0x55: {  	_ =	shalt  }
0x56: {  	_ =	shalt  }
0x57: {  	_ =	shalt  }
0x58: {  	_ =	shalt  }
0x59: {  	_ =	shalt  }
0x5a: {  	_ =	shalt  }
0x5b: {  	_ =	shalt  }
0x5c: {  	_ =	shalt  }
0x5d: {  	_ =	shalt  }
0x5e: {  	_ =	shalt  }
0x5f: {  	_ =	shalt  }
0x60: {  	_ =	shalt  }
0x61: {  	_ =	shalt  }
0x62: {  	_ =	shalt  }
0x63: {  	_ =	shalt  }
0x64: {  	_ =	shalt  }
0x65: {  	_ =	shalt  }
0x66: {  	_ =	shalt  }
0x67: {  	_ =	shalt  }
0x68: {  	_ =	shalt  }
0x69: {  	_ =	shalt  }
0x6a: {  	_ =	shalt  }
0x6b: {  	_ =	shalt  }
0x6c: {  	_ =	shalt  }
0x6d: {  	_ =	shalt  }
0x6e: {  	_ =	shalt  }
0x6f: {  	_ =	shalt  }
0x70: {  	_ =	shalt  }
0x71: {  	_ =	shalt  }
0x72: {  	_ =	shalt  }
0x73: {  	_ =	shalt  }
0x74: {  	_ =	shalt  }
0x75: {  	_ =	shalt  }
0x76: {  	_ =	shalt  }
0x77: {  	_ =	shalt  }
0x78: {  	_ =	shalt  }
0x79: {  	_ =	shalt  }
0x7a: {  	_ =	shalt  }
0x7b: {  	_ =	shalt  }
0x7c: {  	_ =	shalt  }
0x7d: {  	_ =	shalt  }
0x7e: {  	_ =	shalt  }
0x7f: {  	_ =	shalt  }
0x80: {  	_ =	shalt  }
0x81: {  	_ =	shalt  }
0x82: {  	_ =	shalt  }
0x83: {  	_ =	shalt  }
0x84: {  	_ =	shalt  }
0x85: {  	_ =	shalt  }
0x86: {  	_ =	shalt  }
0x87: {  	_ =	shalt  }
.Lfunc_end0:
.L_simem_size_0:
called_computation.1_lowered:
.L_overlay_start_0:
0x88: {  	s2 =	sld [smem:$0x3FD9]  }
0x89: {  	s3 =	sld [smem:$0x3FFE];
	_ =	sdelay $0x1  }
0x8a: {  	s1 =	srdreg.scid  }
0x8b: {  	s0 =	sand.u32 $0x1, s1  }
0x8c: {  	s17 =	sshll.u32 s0, $0xA;
	s2 =	sadd.s32 s3, s2  }
0x8d: {  	s2 =	sadd.s32 s2, s17  }
0x8e: {  	[smem:$0x3FC2] =	sst s2  }
0x8f: {  	_ = 	snop  }
0x90: {  	s2 =	sld [smem:$0x3FD0];
	(tm) =	ssettm $0x1  }
0x91: {  	s18 =	sld [smem:$0x3FFB];
	_ =	sdelay $0x3  }
0x92: {  	_ =	strace s18  }
0x93: {  	s3 =	sld [smem:$0x3FFC];
	_ =	sdelay $0x3  }
0x94: {  	_ =	strace s3  }
0x95: {  	s3 =	sld [smem:$0x3FFD];
	_ =	sdelay $0x3  }
0x96: {  	_ =	strace s3  }
0x97: {  	_ =	strace $0x8FFFFFFF  }
0x98: {  	s19 =	sld [smem:$0x3FDB];
	_ =	sdelay $0x1  }
0x99: {  	s4 =	simm.s32 $_scs_section_size  }
0x9a: {  	s5 =	simm.s32 $_size__tile_overlayer_lowered;
	s6 =	simm.s32 $_tile_overlayer_lowered  }
0x9b: {  	s22 =	simm.s32 $0x1BFF;
	s21 =	sshll.u32 s6, $0x1;
	s3 =	sadd.s32 s4, s19  }
0x9c: {  	s7 =	simm.s32 $0x0;
	s20 =	sshll.u32 s5, $0x1;
	s5 =	sadd.s32 s21, s3  }
0x9d: {  	[timem:s7], [sflag:s22] =	dma.local [hbm:s5], s20  }
0x9e: {  	_ =	swait.ge [sflag:s22], s20  }
0x9f: {  	s4 =	ssub.s32 $0x0, s20;
	[sflag:s22] =	ssyncset.done $0x0  }
0xa0: {  	[sflag:s22] =	ssyncadd.s32 s4;
	_ =	sdelay $0x1  }
0xa1: {  	s23 =	simm.s32 $0x1B8B  }
0xa2: {  	_ =	swait.ge [sflag:s23], $0x1  }
0xa3: {  	[sflag:s23] =	ssyncset.done $0x0  }
0xa4: {  	s25 =	simm.s32 $0x1B8E;
	s24 =	sld [smem:$0x3FFE];
	[sflag:s23] =	ssyncadd.s32 $0xFFFFFFFF  }
0xa5: {  	s26 =	simm.s32 $execute0_lowered;
	[smem:$0x3FD2] =	sst s25  }
0xa6: {  	s5 =	sshll.u32 s26, $0x1;
	_ =	strace $0x80000049;
	[dreg:$0x1] =	wrdreg $0xFFFFFFFF  }
0xa7: {  	s28 =	simm.s32 $_size_execute0_lowered;
	s3 =	sadd.s32 s3, s5;
	[dreg:$0x0] =	wrdreg $0x0  }
0xa8: {  	s5 =	sshll.u32 s28, $0x1;
	[dreg:$0x2] =	wrdreg s3  }
0xa9: {  	[dreg:$0x3] =	wrdreg s5  }
0xaa: {  	[dreg:$0x4] =	wrdreg $0xC0  }
0xab: {  	_ =	task [dreg:s7], $0x5FFFF  }
0xac: {  	[dreg:$0x1] =	wrdreg $0xFFFFFFFF  }
0xad: {  	[dreg:$0x0] =	wrdreg $0x60  }
0xae: {  	[dreg:$0x2] =	wrdreg s24  }
0xaf: {  	[dreg:$0x3] =	wrdreg s2  }
0xb0: {  	[dreg:$0x4] =	wrdreg $0xB8000  }
0xb1: {  	[dreg:$0x5] =	wrdreg $0x9  }
0xb2: {  	_ =	task.clear_ibuf [dreg:s7], $0x6FFFF;
	_ =	strace $0x90000049  }
0xb3: {  	s29 =	simm.s32 $0x9;
	_ =	strace $0x8000004B  }
0xb4: {  	_ =	swait.ge [sflag:s29], $0x1  }
0xb5: {  	[sflag:s29] =	ssyncadd.s32 $0xFFFFFFFF  }
0xb6: {  	_ =	strace $0x9000004B  }
0xb7: {  	_ =	sfence  }
0xb8: {  	s30 =	sld [smem:$0x0];
	_ =	sdelay $0x2  }
0xb9: {  	s31 =	sshll.u32 s1, $0xD;
	s1 =	sshrl.u32 s1, $0x2  }
0xba: {  	s3 =	sand.u32 $0x4000, s31;
	s1 =	sadd.s32 s1, s30  }
0xbb: {  	s0 =	sor.u32 s3, s0;
	s1 =	sshll.u32 s1, $0x11  }
0xbc: {  	s0 =	sor.u32 s1, s0  }
0xbd: {  	s0 =	sadd.s32 $0x8F2B, s0  }
0xbe: {  	[sflag:s0] =	ssyncadd.remote.s32 $0x1  }
0xbf: {  	_ =	sfence.sel $0xFFFF  }
0xc0: {  	[dreg:$0x0] =	wrdreg $0xFFFFFFFF;
	(pc) =	sbr.abs _section_cstart, $3  }
0xc1: {  	[dreg:$0x1] =	wrdreg $0xFFFFFFFF  }
0xc2: {  	_ =	task.clear_ibuf [dreg:s7], $0x2FFFF;
	_ =	strace $0x9FFFFFFF  }
0xc3: {  	(tm) =	ssettm $0x7FFFFFFF  }
tec
execute0_lowered:
.L_overlay_start_1:
0x0: {  	(tag) =	ssettag $0x1  }
0x1: {  	s7 =	rddreg [dreg:$0x0]  }
0x2: {  	s2 =	rddreg [dreg:$0x1]  }
0x3: {  	s3 =	rddreg [dreg:$0x2]  }
0x4: {  	s0 =	rddreg [dreg:$0x3]  }
0x5: {  	s4 =	simm.s32 $0x0;
	s1 =	stileid.u32;
	s5 =	srdreg.scid  }
0x6: {  	s15 =	simm.s32 $0x60;
	s16 =	simm.s32 $0x2800;
	s17 =	simm.s32 $0x80  }
0x7: {  	s18 =	simm.s32 $0x5800;
	s19 =	simm.s32 $0x100;
	s20 =	simm.s32 $0x8800  }
0x8: {  	s21 =	simm.s32 $0x1;
	s22 =	simm.s32 $0x2;
	s23 =	simm.s32 $0x3  }
0x9: {  	s24 =	simm.s32 $0x2480;
	s25 =	simm.s32 $0x2500;
	s26 =	simm.s32 $0x2580  }
0xa: {  	[smem:$0x7FF] =	sst s4;
	s8 =	smul.u32 $0x2780, s1;
	s9 =	sand.u32 $0x1, s5  }
0xb: {  	s5 =	sadd.s32 $0x1E00, s7;
	s6 =	sadd.s32 $0x83E00, s7;
	s13 =	smul.u32 $0x4F000, s1  }
0xc: {  	s31 =	sshll.u32 s1, $0x6;
	_ =	strace $0x8000004A;
	s10 =	smul.u32 $0x27800, s9  }
0xd: {  	s12 =	ssub.s32 $0x2, s9;
	s29 =	sshll.u32 s9, $0x4;
	s11 =	sadd.s32 s8, s7  }
0xe: {  	s28 =	sshrl.u32 s12, $0x1;
	s9 =	sor.u32 s1, s29;
	s30 =	sshrl.u32 s13, $0x2  }
0xf: {  	s8 =	sadd.s32 s8, s10;
	s12 =	ssub.s32 s12, s28;
	s13 =	sadd.s32 s30, s3  }
0x10: {  	s9 =	smul.u32 $0x3, s9;
	s14 =	sadd.s32 s8, s7;
	s7 =	sadd.s32 $0x29600, s11  }
0x11: {  	s8 =	sor.u32 $0x1C04, s31;
	s11 =	smax.u32 s12, $0x1;
	s12 =	sshrl.u32 s13, $0x3  }
0x12: {  	s13 =	simm.s32 $0x4;
	s10 =	sadd.s32 $0x92E00, s14;
	s14 =	simm.s32 $0x1400  }
.LBB2_1:
0x13: {  	[spmem:s12], [sflag:s8] =	dma.local [hbm:s7], $0x2780  }
0x14: {  	_ =	swait.ge [sflag:s13], $0x2780  }
0x15: {  	[sflag:s13] =	ssyncset.done $0x0  }
0x16: {  	[sflag:s13] =	ssyncadd.s32 $0xFFFFD880  }
0x17: {  	s28 =	simm.s32 $0x0;
	[bflag:$0x0] =	sbarrier.arrive $0xFFFF  }
.LBB2_2:
0x18: {  	s29 =	sadd.s32 s9, s28  }
0x19: {  	s29 =	smul.u32 $0x280, s29;
	_ =	sdelay $0x1  }
0x1a: {  	s31 =	simm.s32 $0x0;
	s30 =	sadd.s32 s2, s29  }
0x1b: {  	[tilespmem:s31], [sflag:$0x4] =	stream.linear.gather [hbm4b:s30+s31], $0x1200, $0x38;
	[tilespmem:$0x1F400] =	vst v63  }
0x1c: {  	_ =	swait.ge [sflag:s13], $0x1200  }
0x1d: {  	[sflag:s13] =	ssyncset.done $0x0  }
0x1e: {  	s29 =	sadd.s32 s6, s29;
	[sflag:s13] =	ssyncadd.s32 $0xFFFFEE00  }
0x1f: {  	[tilespmem:s14], [sflag:$0x4] =	stream.linear.gather [hbm4b:s29+s31], $0x1200, $0x38;
	[tilespmem:$0x1F400] =	vst v63  }
0x20: {  	_ =	swait.ge [sflag:s13], $0x1200  }
0x21: {  	[sflag:s13] =	ssyncset.done $0x0  }
0x22: {  	[sflag:s13] =	ssyncadd.s32 $0xFFFFEE00  }
0x23: {  	[tilespmem:s16], [sflag:$0x1] =	stream.indirect.gather [hbm4b:s5+s15], $0x80, s31, s15, $0xb8;
	[tilespmem:$0x1F400] =	vst v63  }
0x24: {  	_ = 	snop  }
0x25: {  	[tilespmem:s18], [sflag:$0x2] =	stream.indirect.gather [hbm4b:s5+s15], $0x80, s17, s15, $0xb8;
	[tilespmem:$0x1F400] =	vst v63  }
0x26: {  	_ = 	snop  }
0x27: {  	[tilespmem:s20], [sflag:$0x3] =	stream.indirect.gather [hbm4b:s5+s15], $0x80, s19, s15, $0xb8;
	[tilespmem:$0x1F400] =	vst v63  }
0x28: {  	_ =	swait.ge [sflag:s21], $0x3000  }
0x29: {  	[sflag:s21] =	ssyncset.done $0x0  }
0x2a: {  	s29 =	simm.s32 $0x1400;
	[sflag:s21] =	ssyncadd.s32 $0xFFFFD000  }
0x2b: {  	[spmem:s3] =	stream.indirect.scatter.add.f32 [tilespmem:s16], [sflag:$0x4], $0x80, s29, s15, $0xb8;
	[tilespmem:$0x1F400] =	vst v63  }
0x2c: {  	_ =	swait.ge [sflag:s13], $0x3000  }
0x2d: {  	[sflag:s13] =	ssyncset.done $0x0  }
0x2e: {  	s29 =	simm.s32 $0x180;
	[sflag:s13] =	ssyncadd.s32 $0xFFFFD000  }
0x2f: {  	[tilespmem:s16], [sflag:$0x1] =	stream.indirect.gather [hbm4b:s5+s15], $0x80, s29, s15, $0xb8;
	[tilespmem:$0x1F400] =	vst v63  }
0x30: {  	_ =	swait.ge [sflag:s22], $0x3000  }
0x31: {  	[sflag:s22] =	ssyncset.done $0x0  }
0x32: {  	s29 =	simm.s32 $0x1480;
	[sflag:s22] =	ssyncadd.s32 $0xFFFFD000  }
0x33: {  	[spmem:s3] =	stream.indirect.scatter.add.f32 [tilespmem:s18], [sflag:$0x4], $0x80, s29, s15, $0xb8;
	[tilespmem:$0x1F400] =	vst v63  }
0x34: {  	_ =	swait.ge [sflag:s13], $0x3000  }
0x35: {  	[sflag:s13] =	ssyncset.done $0x0  }
0x36: {  	s29 =	simm.s32 $0x200;
	[sflag:s13] =	ssyncadd.s32 $0xFFFFD000  }
0x37: {  	[tilespmem:s18], [sflag:$0x2] =	stream.indirect.gather [hbm4b:s5+s15], $0x80, s29, s15, $0xb8;
	[tilespmem:$0x1F400] =	vst v63  }
0x38: {  	_ =	swait.ge [sflag:s23], $0x3000  }
0x39: {  	[sflag:s23] =	ssyncset.done $0x0  }
0x3a: {  	s29 =	simm.s32 $0x1500;
	[sflag:s23] =	ssyncadd.s32 $0xFFFFD000  }
0x3b: {  	[spmem:s3] =	stream.indirect.scatter.add.f32 [tilespmem:s20], [sflag:$0x4], $0x80, s29, s15, $0xb8;
	[tilespmem:$0x1F400] =	vst v63  }
0x3c: {  	_ =	swait.ge [sflag:s13], $0x3000  }
0x3d: {  	[sflag:s13] =	ssyncset.done $0x0  }
0x3e: {  	s30 =	simm.s32 $0x280;
	s29 =	simm.s32 $0x600;
	[sflag:s13] =	ssyncadd.s32 $0xFFFFD000  }
.LBB2_3:
0x3f: {  	[tilespmem:s20], [sflag:$0x3] =	stream.indirect.gather [hbm4b:s5+s15], $0x80, s30, s15, $0xb8;
	[tilespmem:$0x1F400] =	vst v63  }
0x40: {  	s30 =	smov.u32 s29  }
0x41: {  	p0 =	sne.s32 s29, $0x3C00;
	s29 =	sadd.s32 $0x600, s29;
	_ =	swait.ge [sflag:s21], $0x3000  }
0x42: {  	s30 =	sshra.s32 s30, $0x2;
	[sflag:s21] =	ssyncset.done $0x0  }
0x43: {  	s31 =	sadd.s32 $0x1400, s30;
	[sflag:s21] =	ssyncadd.s32 $0xFFFFD000  }
0x44: {  	[spmem:s3] =	stream.indirect.scatter.add.f32 [tilespmem:s16], [sflag:$0x4], $0x80, s31, s15, $0xb8;
	[tilespmem:$0x1F400] =	vst v63  }
0x45: {  	_ =	swait.ge [sflag:s13], $0x3000  }
0x46: {  	[sflag:s13] =	ssyncset.done $0x0  }
0x47: {  	s31 =	sadd.s32 $0x180, s30;
	[sflag:s13] =	ssyncadd.s32 $0xFFFFD000  }
0x48: {  	[tilespmem:s16], [sflag:$0x1] =	stream.indirect.gather [hbm4b:s5+s15], $0x80, s31, s15, $0xb8;
	[tilespmem:$0x1F400] =	vst v63  }
0x49: {  	_ =	swait.ge [sflag:s22], $0x3000  }
0x4a: {  	[sflag:s22] =	ssyncset.done $0x0  }
0x4b: {  	s31 =	sadd.s32 $0x1480, s30;
	[sflag:s22] =	ssyncadd.s32 $0xFFFFD000  }
0x4c: {  	[spmem:s3] =	stream.indirect.scatter.add.f32 [tilespmem:s18], [sflag:$0x4], $0x80, s31, s15, $0xb8;
	[tilespmem:$0x1F400] =	vst v63  }
0x4d: {  	_ =	swait.ge [sflag:s13], $0x3000  }
0x4e: {  	[sflag:s13] =	ssyncset.done $0x0  }
0x4f: {  	s31 =	sadd.s32 $0x200, s30;
	[sflag:s13] =	ssyncadd.s32 $0xFFFFD000  }
0x50: {  	[tilespmem:s18], [sflag:$0x2] =	stream.indirect.gather [hbm4b:s5+s15], $0x80, s31, s15, $0xb8;
	[tilespmem:$0x1F400] =	vst v63  }
0x51: {  	_ =	swait.ge [sflag:s23], $0x3000  }
0x52: {  	[sflag:s23] =	ssyncset.done $0x0  }
.Ltmp0:
0x53: {  	s31 =	sadd.s32 $0x1500, s30;
	[sflag:s23] =	ssyncadd.s32 $0xFFFFD000;
	(pc) =	sbr.rel @p0 .LBB2_3-.Ltmp0, $4  }
0x54: {  	[spmem:s3] =	stream.indirect.scatter.add.f32 [tilespmem:s20], [sflag:$0x4], $0x80, s31, s15, $0xb8;
	[tilespmem:$0x1F400] =	vst v63  }
0x55: {  	_ =	swait.ge [sflag:s13], $0x3000  }
0x56: {  	[sflag:s13] =	ssyncset.done $0x0  }
0x57: {  	s30 =	sadd.s32 $0x280, s30;
	[sflag:s13] =	ssyncadd.s32 $0xFFFFD000  }
0x58: {  	[tilespmem:s20], [sflag:$0x3] =	stream.indirect.gather [hbm4b:s5+s15], $0x80, s30, s15, $0xb8;
	[tilespmem:$0x1F400] =	vst v63  }
0x59: {  	_ =	swait.ge [sflag:s21], $0x3000  }
0x5a: {  	[sflag:s21] =	ssyncset.done $0x0  }
0x5b: {  	[sflag:s21] =	ssyncadd.s32 $0xFFFFD000  }
0x5c: {  	[spmem:s3] =	stream.indirect.scatter.add.f32 [tilespmem:s16], [sflag:$0x4], $0x80, s24, s15, $0xb8;
	[tilespmem:$0x1F400] =	vst v63  }
0x5d: {  	_ =	swait.ge [sflag:s13], $0x3000  }
0x5e: {  	[sflag:s13] =	ssyncset.done $0x0  }
0x5f: {  	[sflag:s13] =	ssyncadd.s32 $0xFFFFD000  }
0x60: {  	_ =	swait.ge [sflag:s22], $0x3000  }
0x61: {  	[sflag:s22] =	ssyncset.done $0x0  }
0x62: {  	[sflag:s22] =	ssyncadd.s32 $0xFFFFD000  }
0x63: {  	[spmem:s3] =	stream.indirect.scatter.add.f32 [tilespmem:s18], [sflag:$0x4], $0x80, s25, s15, $0xb8;
	[tilespmem:$0x1F400] =	vst v63  }
0x64: {  	_ =	swait.ge [sflag:s13], $0x3000  }
0x65: {  	[sflag:s13] =	ssyncset.done $0x0  }
0x66: {  	[sflag:s13] =	ssyncadd.s32 $0xFFFFD000  }
0x67: {  	s28 =	sadd.s32 $0x1, s28;
	_ =	swait.ge [sflag:s23], $0x3000  }
0x68: {  	p0 =	sne.s32 s28, $0x3;
	[sflag:s23] =	ssyncset.done $0x0  }
.Ltmp1:
0x69: {  	[sflag:s23] =	ssyncadd.s32 $0xFFFFD000;
	(pc) =	sbr.rel @p0 .LBB2_2-.Ltmp1, $4  }
0x6a: {  	[spmem:s3] =	stream.indirect.scatter.add.f32 [tilespmem:s20], [sflag:$0x4], $0x80, s26, s15, $0xb8;
	[tilespmem:$0x1F400] =	vst v63  }
0x6b: {  	_ =	swait.ge [sflag:s13], $0x3000  }
0x6c: {  	[sflag:s13] =	ssyncset.done $0x0  }
0x6d: {  	[sflag:s13] =	ssyncadd.s32 $0xFFFFD000  }
0x6e: {  	s4 =	sadd.s32 $0x1, s4  }
0x6f: {  	p0 =	sne.s32 s4, s11  }
.Ltmp2:
0x70: {  	[bflag:$0x0] =	sbarrier.arrive $0xFFFF;
	(pc) =	sbr.rel @p0 .LBB2_1-.Ltmp2, $4  }
0x71: {  	[hbm:s10], [sflag:s8] =	dma.local [spmem:s12], $0x2780  }
0x72: {  	_ =	swait.ge [sflag:s13], $0x2780  }
0x73: {  	[sflag:s13] =	ssyncset.done $0x0  }
0x74: {  	[sflag:s13] =	ssyncadd.s32 $0xFFFFD880  }
0x75: {  	_ =	sfence.sel $0x180000  }
0x76: {  	[bflag:$0x0] =	sbarrier.arrive $0xFFFF  }
0x77: {  	p0 =	sne.s32 s1, $0x0;
	_ =	strace $0x9000004A  }
0x78: {  	s0 =	sadd.s32 @!p0 $0x100000, s0;
	[bflag:$0x2] =	sbarrier.arrive $0xFFFF  }
0x79: {  	[sflag:s0] =	ssyncadd.tile.s32 @!p0 $0x1;
	_ =	shalt  }
.Lfunc_end2:
_tile_overlayer_lowered:
.L_overlay_start_2:
0x7a: {  	(tag) =	ssettag $0x2  }
0x7b: {  	s0 =	rddreg [dreg:$0x0];
	s2 =	stileid.u32  }
0x7c: {  	s1 =	rddreg [dreg:$0x1];
	p0 =	sne.s32 s2, $0x0  }
0x7d: {  	s3 =	rddreg [dreg:$0x2];
	[bflag:$0x3] =	sbarrier.arrive $0xFFFF;
	s2 =	simm.s32 @!p0 $0x1C04  }
0x7e: {  	[timem:s3], [sflag:s2] =	dma.local @!p0 [hbm:s0], s1  }
0x7f: {  	s0 =	simm.s32 @!p0 $0x4  }
0x80: {  	_ =	swait.ge @!p0 [sflag:s0], s1  }
0x81: {  	s1 =	ssub.s32 @!p0 $0x0, s1;
	[sflag:s0] =	ssyncset.done @!p0 $0x0  }
0x82: {  	[sflag:s0] =	ssyncadd.s32 @!p0 s1  }
0x83: {  	[bflag:$0x3] =	sbarrier.arrive $0xFFFF  }
0x84: {  	_ =	shalt  }

// kernel: kernel.14.cloned.1.call-start
scs
__scs_entry_jumppad:
0x0: {  	(pc) =	sbr.rel $0x88, $3  }
0x1: {  	(tag) =	ssettag $0x0;
	lr =	simm.s32 $0x1  }
0x2: {  	[smem:$0x3F9B] =	sst lr;
	_ =	strace $0xD0000000  }
0x3: {  	_ = 	snop  }
0x4: {  	_ = 	snop  }
0x5: {  	_ = 	snop  }
0x6: {  	_ = 	snop  }
0x7: {  	_ = 	snop  }
__scs_overlays_trampoline_lowered:
0x8: {  	[smem:$0x3FAA] =	sst s0  }
0x9: {  	[smem:$0x3FAB] =	sst s1  }
0xa: {  	[smem:$0x3FAC] =	sst s2  }
0xb: {  	[smem:$0x3FAD] =	sst s3  }
0xc: {  	[smem:$0x3FAE] =	sst s4  }
0xd: {  	[smem:$0x3FAF] =	sst s5  }
0xe: {  	[smem:$0x3FB0] =	sst s6  }
0xf: {  	[smem:$0x3FB1] =	sst s7  }
0x10: {  	[smem:$0x3FB2] =	sst s8  }
0x11: {  	[smem:$0x3FB3] =	sst s9;
	s0 =	simm.s32 @!p0 $0x0  }
0x12: {  	s1 =	sld [smem:$0x3F99];
	s0 =	simm.s32 @p0 $0x1  }
0x13: {  	[smem:$0x3FB4] =	sst s0;
	s0 =	simm.s32 @!p1 $0x0  }
0x14: {  	s2 =	sld [smem:$0x3F98];
	s0 =	simm.s32 @p1 $0x1  }
0x15: {  	[smem:$0x3FB5] =	sst s0;
	s0 =	simm.s32 @!p2 $0x0  }
0x16: {  	s3 =	sld [smem:$0x3FDB];
	s0 =	simm.s32 @p2 $0x1  }
0x17: {  	s4 =	simm.s32 $0x1BF5;
	[smem:$0x3FB7] =	sst s0  }
0x18: {  	s0 =	sld [smem:$0x3F9A];
	_ =	swait.ge [sflag:s4], $0x0  }
0x19: {  	s7 =	sld [smem:$0x3F9B]  }
0x1a: {  	s8 =	sadd.s32 $0xFFFFE003, lr  }
0x1b: {  	s9 =	sadd.s32 $0xFFFFFEF7, lr;
	s5 =	simm.s32 $0xFFFFFFFF;
	p2 =	slt.u32 s8, $0xFFFFF086  }
0x1c: {  	p1 =	slt.u32 s9, $0xF7A;
	s5 =	simm.s32 @!p2 $0x0  }
0x1d: {  	s5 =	simm.s32 @p1 $0x1;
	p0 =	seq.s32 s7, s2  }
0x1e: {  	s7 =	smul.u32 @!p0 $0xF7A, s2;
	p2 =	seq.s32 @!p0 s5, $0x0  }
0x1f: {  	s9 =	smul.u32 $0xF7A, s1;
	s8 =	simm.s32 @!p0 $0x1BF5;
	p2 =	por !p2, p0  }
0x20: {  	[sflag:s8] =	ssyncset.s32 @!p0 $0xFFFFF086;
	s6 =	sadd.s32 @!p0 s3, s7;
	s7 =	simm.s32 @!p0 $0x108  }
0x21: {  	s3 =	sadd.s32 s3, s9;
	s6 =	sadd.s32 @!p0 $0x88, s6;
	s7 =	simm.s32 @p2 $0x1082  }
0x22: {  	[simem:s7], [sflag:s8] =	dma.local @!p0 [hbm:s6], $0xF7A  }
0x23: {  	s9 =	sor.u32 $0xD0000000, s2;
	s6 =	simm.s32 $0x108;
	_ =	swait.ge @!p0 [sflag:s8], $0x0  }
0x24: {  	s3 =	sadd.s32 $0x88, s3;
	s6 =	simm.s32 @!p1 $0x1082;
	[sflag:s4] =	ssyncset.s32 $0xFFFFF086  }
0x25: {  	[simem:s6], [sflag:s4] =	dma.local [hbm:s3], $0xF7A  }
0x26: {  	[smem:$0x3F9B] =	sst s1;
	(tag) =	ssettag s2;
	_ =	strace s9  }
0x27: {  	s1 =	sld [smem:$0x3FAB]  }
0x28: {  	s2 =	sld [smem:$0x3FAC]  }
0x29: {  	s4 =	sld [smem:$0x3FAE]  }
0x2a: {  	p0 =	seq.s32 s5, $0x0;
	s5 =	sld [smem:$0x3FAF]  }
0x2b: {  	s6 =	sld [smem:$0x3FB0]  }
0x2c: {  	s7 =	sld [smem:$0x3FB1]  }
0x2d: {  	s3 =	simm.s32 $0x108;
	s8 =	sld [smem:$0x3FB2]  }
0x2e: {  	s3 =	simm.s32 @!p0 $0x1082;
	s9 =	sld [smem:$0x3FB3]  }
0x2f: {  	lr =	sadd.s32 s0, s3;
	s0 =	sld [smem:$0x3FAA]  }
0x30: {  	s3 =	sld [smem:$0x3FAD]  }
0x31: {  	[smem:$0x3FB6] =	sst s10  }
0x32: {  	s10 =	sld [smem:$0x3FB4];
	_ =	sdelay $0x3  }
0x33: {  	p0 =	seq.s32 s10, $0x1;
	s10 =	sld [smem:$0x3FB6];
	_ =	sdelay $0x3  }
0x34: {  	[smem:$0x3FB6] =	sst s10  }
0x35: {  	s10 =	sld [smem:$0x3FB5];
	_ =	sdelay $0x3  }
0x36: {  	p1 =	seq.s32 s10, $0x1;
	s10 =	sld [smem:$0x3FB6];
	_ =	sdelay $0x3  }
0x37: {  	[smem:$0x3FB6] =	sst s10  }
0x38: {  	s10 =	sld [smem:$0x3FB7]  }
0x39: {  	_ = 	snop;
	(pc) =	sbr.ind lr, $3  }
0x3a: {  	_ = 	snop  }
0x3b: {  	_ = 	snop  }
0x3c: {  	p2 =	seq.s32 s10, $0x1;
	s10 =	sld [smem:$0x3FB6]  }
0x3d: {  	_ =	shalt  }
0x3e: {  	_ =	shalt  }
0x3f: {  	_ =	shalt  }
0x40: {  	_ =	shalt  }
0x41: {  	_ =	shalt  }
0x42: {  	_ =	shalt  }
0x43: {  	_ =	shalt  }
0x44: {  	_ =	shalt  }
0x45: {  	_ =	shalt  }
0x46: {  	_ =	shalt  }
0x47: {  	_ =	shalt  }
0x48: {  	_ =	shalt  }
0x49: {  	_ =	shalt  }
0x4a: {  	_ =	shalt  }
0x4b: {  	_ =	shalt  }
0x4c: {  	_ =	shalt  }
0x4d: {  	_ =	shalt  }
0x4e: {  	_ =	shalt  }
0x4f: {  	_ =	shalt  }
0x50: {  	_ =	shalt  }
0x51: {  	_ =	shalt  }
0x52: {  	_ =	shalt  }
0x53: {  	_ =	shalt  }
0x54: {  	_ =	shalt  }
0x55: {  	_ =	shalt  }
0x56: {  	_ =	shalt  }
0x57: {  	_ =	shalt  }
0x58: {  	_ =	shalt  }
0x59: {  	_ =	shalt  }
0x5a: {  	_ =	shalt  }
0x5b: {  	_ =	shalt  }
0x5c: {  	_ =	shalt  }
0x5d: {  	_ =	shalt  }
0x5e: {  	_ =	shalt  }
0x5f: {  	_ =	shalt  }
0x60: {  	_ =	shalt  }
0x61: {  	_ =	shalt  }
0x62: {  	_ =	shalt  }
0x63: {  	_ =	shalt  }
0x64: {  	_ =	shalt  }
0x65: {  	_ =	shalt  }
0x66: {  	_ =	shalt  }
0x67: {  	_ =	shalt  }
0x68: {  	_ =	shalt  }
0x69: {  	_ =	shalt  }
0x6a: {  	_ =	shalt  }
0x6b: {  	_ =	shalt  }
0x6c: {  	_ =	shalt  }
0x6d: {  	_ =	shalt  }
0x6e: {  	_ =	shalt  }
0x6f: {  	_ =	shalt  }
0x70: {  	_ =	shalt  }
0x71: {  	_ =	shalt  }
0x72: {  	_ =	shalt  }
0x73: {  	_ =	shalt  }
0x74: {  	_ =	shalt  }
0x75: {  	_ =	shalt  }
0x76: {  	_ =	shalt  }
0x77: {  	_ =	shalt  }
0x78: {  	_ =	shalt  }
0x79: {  	_ =	shalt  }
0x7a: {  	_ =	shalt  }
0x7b: {  	_ =	shalt  }
0x7c: {  	_ =	shalt  }
0x7d: {  	_ =	shalt  }
0x7e: {  	_ =	shalt  }
0x7f: {  	_ =	shalt  }
0x80: {  	_ =	shalt  }
0x81: {  	_ =	shalt  }
0x82: {  	_ =	shalt  }
0x83: {  	_ =	shalt  }
0x84: {  	_ =	shalt  }
0x85: {  	_ =	shalt  }
0x86: {  	_ =	shalt  }
0x87: {  	_ =	shalt  }
.Lfunc_end0:
.L_simem_size_0:
called_computation.2_lowered:
.L_overlay_start_0:
0x88: {  	s2 =	sld [smem:$0x3FD9]  }
0x89: {  	s3 =	sld [smem:$0x3FFE];
	_ =	sdelay $0x1  }
0x8a: {  	s1 =	srdreg.scid  }
0x8b: {  	s0 =	sand.u32 $0x1, s1  }
0x8c: {  	s17 =	sshll.u32 s0, $0xA;
	s2 =	sadd.s32 s3, s2  }
0x8d: {  	s2 =	sadd.s32 s2, s17  }
0x8e: {  	[smem:$0x3FC2] =	sst s2  }
0x8f: {  	_ = 	snop  }
0x90: {  	s2 =	sld [smem:$0x3FD0];
	(tm) =	ssettm $0x1  }
0x91: {  	s18 =	sld [smem:$0x3FFB];
	_ =	sdelay $0x3  }
0x92: {  	_ =	strace s18  }
0x93: {  	s3 =	sld [smem:$0x3FFC];
	_ =	sdelay $0x3  }
0x94: {  	_ =	strace s3  }
0x95: {  	s3 =	sld [smem:$0x3FFD];
	_ =	sdelay $0x3  }
0x96: {  	_ =	strace s3  }
0x97: {  	_ =	strace $0x8FFFFFFF  }
0x98: {  	s19 =	sld [smem:$0x3FDB];
	_ =	sdelay $0x1  }
0x99: {  	s4 =	simm.s32 $_scs_section_size  }
0x9a: {  	s5 =	simm.s32 $_size__tile_overlayer_lowered;
	s6 =	simm.s32 $_tile_overlayer_lowered  }
0x9b: {  	s22 =	simm.s32 $0x1BFF;
	s21 =	sshll.u32 s6, $0x1;
	s3 =	sadd.s32 s4, s19  }
0x9c: {  	s7 =	simm.s32 $0x0;
	s20 =	sshll.u32 s5, $0x1;
	s5 =	sadd.s32 s21, s3  }
0x9d: {  	[timem:s7], [sflag:s22] =	dma.local [hbm:s5], s20  }
0x9e: {  	_ =	swait.ge [sflag:s22], s20  }
0x9f: {  	s4 =	ssub.s32 $0x0, s20;
	[sflag:s22] =	ssyncset.done $0x0  }
0xa0: {  	[sflag:s22] =	ssyncadd.s32 s4;
	_ =	sdelay $0x1  }
0xa1: {  	s23 =	simm.s32 $0x1B8B  }
0xa2: {  	_ =	swait.ge [sflag:s23], $0x1  }
0xa3: {  	[sflag:s23] =	ssyncset.done $0x0  }
0xa4: {  	s25 =	simm.s32 $0x1B8E;
	s24 =	sld [smem:$0x3FFE];
	[sflag:s23] =	ssyncadd.s32 $0xFFFFFFFF  }
0xa5: {  	s26 =	simm.s32 $execute0_lowered;
	[smem:$0x3FD2] =	sst s25  }
0xa6: {  	s5 =	sshll.u32 s26, $0x1;
	_ =	strace $0x8000004C;
	[dreg:$0x1] =	wrdreg $0xFFFFFFFF  }
0xa7: {  	s28 =	simm.s32 $_size_execute0_lowered;
	s3 =	sadd.s32 s3, s5;
	[dreg:$0x0] =	wrdreg $0x0  }
0xa8: {  	s5 =	sshll.u32 s28, $0x1;
	[dreg:$0x2] =	wrdreg s3  }
0xa9: {  	[dreg:$0x3] =	wrdreg s5  }
0xaa: {  	[dreg:$0x4] =	wrdreg $0xC0  }
0xab: {  	_ =	task [dreg:s7], $0x5FFFF  }
0xac: {  	[dreg:$0x1] =	wrdreg $0xFFFFFFFF  }
0xad: {  	[dreg:$0x0] =	wrdreg $0x60  }
0xae: {  	[dreg:$0x2] =	wrdreg s24  }
0xaf: {  	[dreg:$0x3] =	wrdreg s2  }
0xb0: {  	[dreg:$0x4] =	wrdreg $0xB8000  }
0xb1: {  	[dreg:$0x5] =	wrdreg $0x9  }
0xb2: {  	_ =	task.clear_ibuf [dreg:s7], $0x6FFFF;
	_ =	strace $0x9000004C  }
0xb3: {  	s29 =	simm.s32 $0x9;
	_ =	strace $0x8000004E  }
0xb4: {  	_ =	swait.ge [sflag:s29], $0x1  }
0xb5: {  	[sflag:s29] =	ssyncadd.s32 $0xFFFFFFFF  }
0xb6: {  	_ =	strace $0x9000004E  }
0xb7: {  	_ =	sfence  }
0xb8: {  	s30 =	sld [smem:$0x0];
	_ =	sdelay $0x2  }
0xb9: {  	s31 =	sshll.u32 s1, $0xD;
	s1 =	sshrl.u32 s1, $0x2  }
0xba: {  	s3 =	sand.u32 $0x4000, s31;
	s1 =	sadd.s32 s1, s30  }
0xbb: {  	s0 =	sor.u32 s3, s0;
	s1 =	sshll.u32 s1, $0x11  }
0xbc: {  	s0 =	sor.u32 s1, s0  }
0xbd: {  	s0 =	sadd.s32 $0x8F2B, s0  }
0xbe: {  	[sflag:s0] =	ssyncadd.remote.s32 $0x1  }
0xbf: {  	_ =	sfence.sel $0xFFFF  }
0xc0: {  	[dreg:$0x0] =	wrdreg $0xFFFFFFFF;
	(pc) =	sbr.abs _section_cstart, $3  }
0xc1: {  	[dreg:$0x1] =	wrdreg $0xFFFFFFFF  }
0xc2: {  	_ =	task.clear_ibuf [dreg:s7], $0x2FFFF;
	_ =	strace $0x9FFFFFFF  }
0xc3: {  	(tm) =	ssettm $0x7FFFFFFF  }
tec
execute0_lowered:
.L_overlay_start_1:
0x0: {  	(tag) =	ssettag $0x1  }
0x1: {  	s7 =	rddreg [dreg:$0x0]  }
0x2: {  	s2 =	rddreg [dreg:$0x1]  }
0x3: {  	s3 =	rddreg [dreg:$0x2]  }
0x4: {  	s0 =	rddreg [dreg:$0x3]  }
0x5: {  	s4 =	simm.s32 $0x0;
	s1 =	stileid.u32;
	s5 =	srdreg.scid  }
0x6: {  	s15 =	simm.s32 $0x60;
	s16 =	simm.s32 $0x2800;
	s17 =	simm.s32 $0x80  }
0x7: {  	s18 =	simm.s32 $0x5800;
	s19 =	simm.s32 $0x100;
	s20 =	simm.s32 $0x8800  }
0x8: {  	s21 =	simm.s32 $0x1;
	s22 =	simm.s32 $0x2;
	s23 =	simm.s32 $0x3  }
0x9: {  	s24 =	simm.s32 $0x2480;
	s25 =	simm.s32 $0x2500;
	s26 =	simm.s32 $0x2580  }
0xa: {  	[smem:$0x7FF] =	sst s4;
	s8 =	smul.u32 $0x2780, s1;
	s9 =	sand.u32 $0x1, s5  }
0xb: {  	s5 =	sadd.s32 $0x1E00, s7;
	s6 =	sadd.s32 $0x83E00, s7;
	s13 =	smul.u32 $0x4F000, s1  }
0xc: {  	s31 =	sshll.u32 s1, $0x6;
	_ =	strace $0x8000004D;
	s10 =	smul.u32 $0x27800, s9  }
0xd: {  	s12 =	ssub.s32 $0x2, s9;
	s29 =	sshll.u32 s9, $0x4;
	s11 =	sadd.s32 s8, s7  }
0xe: {  	s28 =	sshrl.u32 s12, $0x1;
	s9 =	sor.u32 s1, s29;
	s30 =	sshrl.u32 s13, $0x2  }
0xf: {  	s8 =	sadd.s32 s8, s10;
	s12 =	ssub.s32 s12, s28;
	s13 =	sadd.s32 s30, s3  }
0x10: {  	s9 =	smul.u32 $0x3, s9;
	s14 =	sadd.s32 s8, s7;
	s7 =	sadd.s32 $0x29600, s11  }
0x11: {  	s8 =	sor.u32 $0x1C04, s31;
	s11 =	smax.u32 s12, $0x1;
	s12 =	sshrl.u32 s13, $0x3  }
0x12: {  	s13 =	simm.s32 $0x4;
	s10 =	sadd.s32 $0x92E00, s14;
	s14 =	simm.s32 $0x1400  }
.LBB2_1:
0x13: {  	[spmem:s12], [sflag:s8] =	dma.local [hbm:s7], $0x2780  }
0x14: {  	_ =	swait.ge [sflag:s13], $0x2780  }
0x15: {  	[sflag:s13] =	ssyncset.done $0x0  }
0x16: {  	[sflag:s13] =	ssyncadd.s32 $0xFFFFD880  }
0x17: {  	s28 =	simm.s32 $0x0;
	[bflag:$0x0] =	sbarrier.arrive $0xFFFF  }
.LBB2_2:
0x18: {  	s29 =	sadd.s32 s9, s28  }
0x19: {  	s29 =	smul.u32 $0x280, s29;
	_ =	sdelay $0x1  }
0x1a: {  	s31 =	simm.s32 $0x0;
	s30 =	sadd.s32 s2, s29  }
0x1b: {  	[tilespmem:s31], [sflag:$0x4] =	stream.linear.gather [hbm4b:s30+s31], $0x1200, $0x38;
	[tilespmem:$0x1F400] =	vst v63  }
0x1c: {  	_ =	swait.ge [sflag:s13], $0x1200  }
0x1d: {  	[sflag:s13] =	ssyncset.done $0x0  }
0x1e: {  	s29 =	sadd.s32 s6, s29;
	[sflag:s13] =	ssyncadd.s32 $0xFFFFEE00  }
0x1f: {  	[tilespmem:s14], [sflag:$0x4] =	stream.linear.gather [hbm4b:s29+s31], $0x1200, $0x38;
	[tilespmem:$0x1F400] =	vst v63  }
0x20: {  	_ =	swait.ge [sflag:s13], $0x1200  }
0x21: {  	[sflag:s13] =	ssyncset.done $0x0  }
0x22: {  	[sflag:s13] =	ssyncadd.s32 $0xFFFFEE00  }
0x23: {  	[tilespmem:s16], [sflag:$0x1] =	stream.indirect.gather [hbm4b:s5+s15], $0x80, s31, s15, $0xb8;
	[tilespmem:$0x1F400] =	vst v63  }
0x24: {  	_ = 	snop  }
0x25: {  	[tilespmem:s18], [sflag:$0x2] =	stream.indirect.gather [hbm4b:s5+s15], $0x80, s17, s15, $0xb8;
	[tilespmem:$0x1F400] =	vst v63  }
0x26: {  	_ = 	snop  }
0x27: {  	[tilespmem:s20], [sflag:$0x3] =	stream.indirect.gather [hbm4b:s5+s15], $0x80, s19, s15, $0xb8;
	[tilespmem:$0x1F400] =	vst v63  }
0x28: {  	_ =	swait.ge [sflag:s21], $0x3000  }
0x29: {  	[sflag:s21] =	ssyncset.done $0x0  }
0x2a: {  	s29 =	simm.s32 $0x1400;
	[sflag:s21] =	ssyncadd.s32 $0xFFFFD000  }
0x2b: {  	[spmem:s3] =	stream.indirect.scatter.add.f32 [tilespmem:s16], [sflag:$0x4], $0x80, s29, s15, $0xb8;
	[tilespmem:$0x1F400] =	vst v63  }
0x2c: {  	_ =	swait.ge [sflag:s13], $0x3000  }
0x2d: {  	[sflag:s13] =	ssyncset.done $0x0  }
0x2e: {  	s29 =	simm.s32 $0x180;
	[sflag:s13] =	ssyncadd.s32 $0xFFFFD000  }
0x2f: {  	[tilespmem:s16], [sflag:$0x1] =	stream.indirect.gather [hbm4b:s5+s15], $0x80, s29, s15, $0xb8;
	[tilespmem:$0x1F400] =	vst v63  }
0x30: {  	_ =	swait.ge [sflag:s22], $0x3000  }
0x31: {  	[sflag:s22] =	ssyncset.done $0x0  }
0x32: {  	s29 =	simm.s32 $0x1480;
	[sflag:s22] =	ssyncadd.s32 $0xFFFFD000  }
0x33: {  	[spmem:s3] =	stream.indirect.scatter.add.f32 [tilespmem:s18], [sflag:$0x4], $0x80, s29, s15, $0xb8;
	[tilespmem:$0x1F400] =	vst v63  }
0x34: {  	_ =	swait.ge [sflag:s13], $0x3000  }
0x35: {  	[sflag:s13] =	ssyncset.done $0x0  }
0x36: {  	s29 =	simm.s32 $0x200;
	[sflag:s13] =	ssyncadd.s32 $0xFFFFD000  }
0x37: {  	[tilespmem:s18], [sflag:$0x2] =	stream.indirect.gather [hbm4b:s5+s15], $0x80, s29, s15, $0xb8;
	[tilespmem:$0x1F400] =	vst v63  }
0x38: {  	_ =	swait.ge [sflag:s23], $0x3000  }
0x39: {  	[sflag:s23] =	ssyncset.done $0x0  }
0x3a: {  	s29 =	simm.s32 $0x1500;
	[sflag:s23] =	ssyncadd.s32 $0xFFFFD000  }
0x3b: {  	[spmem:s3] =	stream.indirect.scatter.add.f32 [tilespmem:s20], [sflag:$0x4], $0x80, s29, s15, $0xb8;
	[tilespmem:$0x1F400] =	vst v63  }
0x3c: {  	_ =	swait.ge [sflag:s13], $0x3000  }
0x3d: {  	[sflag:s13] =	ssyncset.done $0x0  }
0x3e: {  	s30 =	simm.s32 $0x280;
	s29 =	simm.s32 $0x600;
	[sflag:s13] =	ssyncadd.s32 $0xFFFFD000  }
.LBB2_3:
0x3f: {  	[tilespmem:s20], [sflag:$0x3] =	stream.indirect.gather [hbm4b:s5+s15], $0x80, s30, s15, $0xb8;
	[tilespmem:$0x1F400] =	vst v63  }
0x40: {  	s30 =	smov.u32 s29  }
0x41: {  	p0 =	sne.s32 s29, $0x3C00;
	s29 =	sadd.s32 $0x600, s29;
	_ =	swait.ge [sflag:s21], $0x3000  }
0x42: {  	s30 =	sshra.s32 s30, $0x2;
	[sflag:s21] =	ssyncset.done $0x0  }
0x43: {  	s31 =	sadd.s32 $0x1400, s30;
	[sflag:s21] =	ssyncadd.s32 $0xFFFFD000  }
0x44: {  	[spmem:s3] =	stream.indirect.scatter.add.f32 [tilespmem:s16], [sflag:$0x4], $0x80, s31, s15, $0xb8;
	[tilespmem:$0x1F400] =	vst v63  }
0x45: {  	_ =	swait.ge [sflag:s13], $0x3000  }
0x46: {  	[sflag:s13] =	ssyncset.done $0x0  }
0x47: {  	s31 =	sadd.s32 $0x180, s30;
	[sflag:s13] =	ssyncadd.s32 $0xFFFFD000  }
0x48: {  	[tilespmem:s16], [sflag:$0x1] =	stream.indirect.gather [hbm4b:s5+s15], $0x80, s31, s15, $0xb8;
	[tilespmem:$0x1F400] =	vst v63  }
0x49: {  	_ =	swait.ge [sflag:s22], $0x3000  }
0x4a: {  	[sflag:s22] =	ssyncset.done $0x0  }
0x4b: {  	s31 =	sadd.s32 $0x1480, s30;
	[sflag:s22] =	ssyncadd.s32 $0xFFFFD000  }
0x4c: {  	[spmem:s3] =	stream.indirect.scatter.add.f32 [tilespmem:s18], [sflag:$0x4], $0x80, s31, s15, $0xb8;
	[tilespmem:$0x1F400] =	vst v63  }
0x4d: {  	_ =	swait.ge [sflag:s13], $0x3000  }
0x4e: {  	[sflag:s13] =	ssyncset.done $0x0  }
0x4f: {  	s31 =	sadd.s32 $0x200, s30;
	[sflag:s13] =	ssyncadd.s32 $0xFFFFD000  }
0x50: {  	[tilespmem:s18], [sflag:$0x2] =	stream.indirect.gather [hbm4b:s5+s15], $0x80, s31, s15, $0xb8;
	[tilespmem:$0x1F400] =	vst v63  }
0x51: {  	_ =	swait.ge [sflag:s23], $0x3000  }
0x52: {  	[sflag:s23] =	ssyncset.done $0x0  }
.Ltmp0:
0x53: {  	s31 =	sadd.s32 $0x1500, s30;
	[sflag:s23] =	ssyncadd.s32 $0xFFFFD000;
	(pc) =	sbr.rel @p0 .LBB2_3-.Ltmp0, $4  }
0x54: {  	[spmem:s3] =	stream.indirect.scatter.add.f32 [tilespmem:s20], [sflag:$0x4], $0x80, s31, s15, $0xb8;
	[tilespmem:$0x1F400] =	vst v63  }
0x55: {  	_ =	swait.ge [sflag:s13], $0x3000  }
0x56: {  	[sflag:s13] =	ssyncset.done $0x0  }
0x57: {  	s30 =	sadd.s32 $0x280, s30;
	[sflag:s13] =	ssyncadd.s32 $0xFFFFD000  }
0x58: {  	[tilespmem:s20], [sflag:$0x3] =	stream.indirect.gather [hbm4b:s5+s15], $0x80, s30, s15, $0xb8;
	[tilespmem:$0x1F400] =	vst v63  }
0x59: {  	_ =	swait.ge [sflag:s21], $0x3000  }
0x5a: {  	[sflag:s21] =	ssyncset.done $0x0  }
0x5b: {  	[sflag:s21] =	ssyncadd.s32 $0xFFFFD000  }
0x5c: {  	[spmem:s3] =	stream.indirect.scatter.add.f32 [tilespmem:s16], [sflag:$0x4], $0x80, s24, s15, $0xb8;
	[tilespmem:$0x1F400] =	vst v63  }
0x5d: {  	_ =	swait.ge [sflag:s13], $0x3000  }
0x5e: {  	[sflag:s13] =	ssyncset.done $0x0  }
0x5f: {  	[sflag:s13] =	ssyncadd.s32 $0xFFFFD000  }
0x60: {  	_ =	swait.ge [sflag:s22], $0x3000  }
0x61: {  	[sflag:s22] =	ssyncset.done $0x0  }
0x62: {  	[sflag:s22] =	ssyncadd.s32 $0xFFFFD000  }
0x63: {  	[spmem:s3] =	stream.indirect.scatter.add.f32 [tilespmem:s18], [sflag:$0x4], $0x80, s25, s15, $0xb8;
	[tilespmem:$0x1F400] =	vst v63  }
0x64: {  	_ =	swait.ge [sflag:s13], $0x3000  }
0x65: {  	[sflag:s13] =	ssyncset.done $0x0  }
0x66: {  	[sflag:s13] =	ssyncadd.s32 $0xFFFFD000  }
0x67: {  	s28 =	sadd.s32 $0x1, s28;
	_ =	swait.ge [sflag:s23], $0x3000  }
0x68: {  	p0 =	sne.s32 s28, $0x3;
	[sflag:s23] =	ssyncset.done $0x0  }
.Ltmp1:
0x69: {  	[sflag:s23] =	ssyncadd.s32 $0xFFFFD000;
	(pc) =	sbr.rel @p0 .LBB2_2-.Ltmp1, $4  }
0x6a: {  	[spmem:s3] =	stream.indirect.scatter.add.f32 [tilespmem:s20], [sflag:$0x4], $0x80, s26, s15, $0xb8;
	[tilespmem:$0x1F400] =	vst v63  }
0x6b: {  	_ =	swait.ge [sflag:s13], $0x3000  }
0x6c: {  	[sflag:s13] =	ssyncset.done $0x0  }
0x6d: {  	[sflag:s13] =	ssyncadd.s32 $0xFFFFD000  }
0x6e: {  	s4 =	sadd.s32 $0x1, s4  }
0x6f: {  	p0 =	sne.s32 s4, s11  }
.Ltmp2:
0x70: {  	[bflag:$0x0] =	sbarrier.arrive $0xFFFF;
	(pc) =	sbr.rel @p0 .LBB2_1-.Ltmp2, $4  }
0x71: {  	[hbm:s10], [sflag:s8] =	dma.local [spmem:s12], $0x2780  }
0x72: {  	_ =	swait.ge [sflag:s13], $0x2780  }
0x73: {  	[sflag:s13] =	ssyncset.done $0x0  }
0x74: {  	[sflag:s13] =	ssyncadd.s32 $0xFFFFD880  }
0x75: {  	_ =	sfence.sel $0x180000  }
0x76: {  	[bflag:$0x0] =	sbarrier.arrive $0xFFFF  }
0x77: {  	p0 =	sne.s32 s1, $0x0;
	_ =	strace $0x9000004D  }
0x78: {  	s0 =	sadd.s32 @!p0 $0x100000, s0;
	[bflag:$0x2] =	sbarrier.arrive $0xFFFF  }
0x79: {  	[sflag:s0] =	ssyncadd.tile.s32 @!p0 $0x1;
	_ =	shalt  }
.Lfunc_end2:
_tile_overlayer_lowered:
.L_overlay_start_2:
0x7a: {  	(tag) =	ssettag $0x2  }
0x7b: {  	s0 =	rddreg [dreg:$0x0];
	s2 =	stileid.u32  }
0x7c: {  	s1 =	rddreg [dreg:$0x1];
	p0 =	sne.s32 s2, $0x0  }
0x7d: {  	s3 =	rddreg [dreg:$0x2];
	[bflag:$0x3] =	sbarrier.arrive $0xFFFF;
	s2 =	simm.s32 @!p0 $0x1C04  }
0x7e: {  	[timem:s3], [sflag:s2] =	dma.local @!p0 [hbm:s0], s1  }
0x7f: {  	s0 =	simm.s32 @!p0 $0x4  }
0x80: {  	_ =	swait.ge @!p0 [sflag:s0], s1  }
0x81: {  	s1 =	ssub.s32 @!p0 $0x0, s1;
	[sflag:s0] =	ssyncset.done @!p0 $0x0  }
0x82: {  	[sflag:s0] =	ssyncadd.s32 @!p0 s1  }
0x83: {  	[bflag:$0x3] =	sbarrier.arrive $0xFFFF  }
0x84: {  	_ =	shalt  }

// kernel: kernel.8.cloned.1.call-start
scs
__scs_entry_jumppad:
0x0: {  	(pc) =	sbr.rel $0x88, $3  }
0x1: {  	(tag) =	ssettag $0x0;
	lr =	simm.s32 $0x1  }
0x2: {  	[smem:$0x3F9B] =	sst lr;
	_ =	strace $0xD0000000  }
0x3: {  	_ = 	snop  }
0x4: {  	_ = 	snop  }
0x5: {  	_ = 	snop  }
0x6: {  	_ = 	snop  }
0x7: {  	_ = 	snop  }
__scs_overlays_trampoline_lowered:
0x8: {  	[smem:$0x3FAA] =	sst s0  }
0x9: {  	[smem:$0x3FAB] =	sst s1  }
0xa: {  	[smem:$0x3FAC] =	sst s2  }
0xb: {  	[smem:$0x3FAD] =	sst s3  }
0xc: {  	[smem:$0x3FAE] =	sst s4  }
0xd: {  	[smem:$0x3FAF] =	sst s5  }
0xe: {  	[smem:$0x3FB0] =	sst s6  }
0xf: {  	[smem:$0x3FB1] =	sst s7  }
0x10: {  	[smem:$0x3FB2] =	sst s8  }
0x11: {  	[smem:$0x3FB3] =	sst s9;
	s0 =	simm.s32 @!p0 $0x0  }
0x12: {  	s1 =	sld [smem:$0x3F99];
	s0 =	simm.s32 @p0 $0x1  }
0x13: {  	[smem:$0x3FB4] =	sst s0;
	s0 =	simm.s32 @!p1 $0x0  }
0x14: {  	s2 =	sld [smem:$0x3F98];
	s0 =	simm.s32 @p1 $0x1  }
0x15: {  	[smem:$0x3FB5] =	sst s0;
	s0 =	simm.s32 @!p2 $0x0  }
0x16: {  	s3 =	sld [smem:$0x3FDB];
	s0 =	simm.s32 @p2 $0x1  }
0x17: {  	s4 =	simm.s32 $0x1BF5;
	[smem:$0x3FB7] =	sst s0  }
0x18: {  	s0 =	sld [smem:$0x3F9A];
	_ =	swait.ge [sflag:s4], $0x0  }
0x19: {  	s7 =	sld [smem:$0x3F9B]  }
0x1a: {  	s8 =	sadd.s32 $0xFFFFE003, lr  }
0x1b: {  	s9 =	sadd.s32 $0xFFFFFEF7, lr;
	s5 =	simm.s32 $0xFFFFFFFF;
	p2 =	slt.u32 s8, $0xFFFFF086  }
0x1c: {  	p1 =	slt.u32 s9, $0xF7A;
	s5 =	simm.s32 @!p2 $0x0  }
0x1d: {  	s5 =	simm.s32 @p1 $0x1;
	p0 =	seq.s32 s7, s2  }
0x1e: {  	s7 =	smul.u32 @!p0 $0xF7A, s2;
	p2 =	seq.s32 @!p0 s5, $0x0  }
0x1f: {  	s9 =	smul.u32 $0xF7A, s1;
	s8 =	simm.s32 @!p0 $0x1BF5;
	p2 =	por !p2, p0  }
0x20: {  	[sflag:s8] =	ssyncset.s32 @!p0 $0xFFFFF086;
	s6 =	sadd.s32 @!p0 s3, s7;
	s7 =	simm.s32 @!p0 $0x108  }
0x21: {  	s3 =	sadd.s32 s3, s9;
	s6 =	sadd.s32 @!p0 $0x88, s6;
	s7 =	simm.s32 @p2 $0x1082  }
0x22: {  	[simem:s7], [sflag:s8] =	dma.local @!p0 [hbm:s6], $0xF7A  }
0x23: {  	s9 =	sor.u32 $0xD0000000, s2;
	s6 =	simm.s32 $0x108;
	_ =	swait.ge @!p0 [sflag:s8], $0x0  }
0x24: {  	s3 =	sadd.s32 $0x88, s3;
	s6 =	simm.s32 @!p1 $0x1082;
	[sflag:s4] =	ssyncset.s32 $0xFFFFF086  }
0x25: {  	[simem:s6], [sflag:s4] =	dma.local [hbm:s3], $0xF7A  }
0x26: {  	[smem:$0x3F9B] =	sst s1;
	(tag) =	ssettag s2;
	_ =	strace s9  }
0x27: {  	s1 =	sld [smem:$0x3FAB]  }
0x28: {  	s2 =	sld [smem:$0x3FAC]  }
0x29: {  	s4 =	sld [smem:$0x3FAE]  }
0x2a: {  	p0 =	seq.s32 s5, $0x0;
	s5 =	sld [smem:$0x3FAF]  }
0x2b: {  	s6 =	sld [smem:$0x3FB0]  }
0x2c: {  	s7 =	sld [smem:$0x3FB1]  }
0x2d: {  	s3 =	simm.s32 $0x108;
	s8 =	sld [smem:$0x3FB2]  }
0x2e: {  	s3 =	simm.s32 @!p0 $0x1082;
	s9 =	sld [smem:$0x3FB3]  }
0x2f: {  	lr =	sadd.s32 s0, s3;
	s0 =	sld [smem:$0x3FAA]  }
0x30: {  	s3 =	sld [smem:$0x3FAD]  }
0x31: {  	[smem:$0x3FB6] =	sst s10  }
0x32: {  	s10 =	sld [smem:$0x3FB4];
	_ =	sdelay $0x3  }
0x33: {  	p0 =	seq.s32 s10, $0x1;
	s10 =	sld [smem:$0x3FB6];
	_ =	sdelay $0x3  }
0x34: {  	[smem:$0x3FB6] =	sst s10  }
0x35: {  	s10 =	sld [smem:$0x3FB5];
	_ =	sdelay $0x3  }
0x36: {  	p1 =	seq.s32 s10, $0x1;
	s10 =	sld [smem:$0x3FB6];
	_ =	sdelay $0x3  }
0x37: {  	[smem:$0x3FB6] =	sst s10  }
0x38: {  	s10 =	sld [smem:$0x3FB7]  }
0x39: {  	_ = 	snop;
	(pc) =	sbr.ind lr, $3  }
0x3a: {  	_ = 	snop  }
0x3b: {  	_ = 	snop  }
0x3c: {  	p2 =	seq.s32 s10, $0x1;
	s10 =	sld [smem:$0x3FB6]  }
0x3d: {  	_ =	shalt  }
0x3e: {  	_ =	shalt  }
0x3f: {  	_ =	shalt  }
0x40: {  	_ =	shalt  }
0x41: {  	_ =	shalt  }
0x42: {  	_ =	shalt  }
0x43: {  	_ =	shalt  }
0x44: {  	_ =	shalt  }
0x45: {  	_ =	shalt  }
0x46: {  	_ =	shalt  }
0x47: {  	_ =	shalt  }
0x48: {  	_ =	shalt  }
0x49: {  	_ =	shalt  }
0x4a: {  	_ =	shalt  }
0x4b: {  	_ =	shalt  }
0x4c: {  	_ =	shalt  }
0x4d: {  	_ =	shalt  }
0x4e: {  	_ =	shalt  }
0x4f: {  	_ =	shalt  }
0x50: {  	_ =	shalt  }
0x51: {  	_ =	shalt  }
0x52: {  	_ =	shalt  }
0x53: {  	_ =	shalt  }
0x54: {  	_ =	shalt  }
0x55: {  	_ =	shalt  }
0x56: {  	_ =	shalt  }
0x57: {  	_ =	shalt  }
0x58: {  	_ =	shalt  }
0x59: {  	_ =	shalt  }
0x5a: {  	_ =	shalt  }
0x5b: {  	_ =	shalt  }
0x5c: {  	_ =	shalt  }
0x5d: {  	_ =	shalt  }
0x5e: {  	_ =	shalt  }
0x5f: {  	_ =	shalt  }
0x60: {  	_ =	shalt  }
0x61: {  	_ =	shalt  }
0x62: {  	_ =	shalt  }
0x63: {  	_ =	shalt  }
0x64: {  	_ =	shalt  }
0x65: {  	_ =	shalt  }
0x66: {  	_ =	shalt  }
0x67: {  	_ =	shalt  }
0x68: {  	_ =	shalt  }
0x69: {  	_ =	shalt  }
0x6a: {  	_ =	shalt  }
0x6b: {  	_ =	shalt  }
0x6c: {  	_ =	shalt  }
0x6d: {  	_ =	shalt  }
0x6e: {  	_ =	shalt  }
0x6f: {  	_ =	shalt  }
0x70: {  	_ =	shalt  }
0x71: {  	_ =	shalt  }
0x72: {  	_ =	shalt  }
0x73: {  	_ =	shalt  }
0x74: {  	_ =	shalt  }
0x75: {  	_ =	shalt  }
0x76: {  	_ =	shalt  }
0x77: {  	_ =	shalt  }
0x78: {  	_ =	shalt  }
0x79: {  	_ =	shalt  }
0x7a: {  	_ =	shalt  }
0x7b: {  	_ =	shalt  }
0x7c: {  	_ =	shalt  }
0x7d: {  	_ =	shalt  }
0x7e: {  	_ =	shalt  }
0x7f: {  	_ =	shalt  }
0x80: {  	_ =	shalt  }
0x81: {  	_ =	shalt  }
0x82: {  	_ =	shalt  }
0x83: {  	_ =	shalt  }
0x84: {  	_ =	shalt  }
0x85: {  	_ =	shalt  }
0x86: {  	_ =	shalt  }
0x87: {  	_ =	shalt  }
.Lfunc_end0:
.L_simem_size_0:
called_computation_lowered:
.L_overlay_start_0:
0x88: {  	s2 =	sld [smem:$0x3FD9]  }
0x89: {  	s3 =	sld [smem:$0x3FFE];
	_ =	sdelay $0x1  }
0x8a: {  	s1 =	srdreg.scid  }
0x8b: {  	s0 =	sand.u32 $0x1, s1  }
0x8c: {  	s16 =	sshll.u32 s0, $0xA;
	s2 =	sadd.s32 s3, s2  }
0x8d: {  	s2 =	sadd.s32 s2, s16  }
0x8e: {  	[smem:$0x3FC2] =	sst s2  }
0x8f: {  	_ = 	snop  }
0x90: {  	(tm) =	ssettm $0x1  }
0x91: {  	s17 =	sld [smem:$0x3FFB];
	_ =	sdelay $0x3  }
0x92: {  	_ =	strace s17  }
0x93: {  	s2 =	sld [smem:$0x3FFC];
	_ =	sdelay $0x3  }
0x94: {  	_ =	strace s2  }
0x95: {  	s2 =	sld [smem:$0x3FFD];
	_ =	sdelay $0x3  }
0x96: {  	_ =	strace s2  }
0x97: {  	_ =	strace $0x8FFFFFFF  }
0x98: {  	s18 =	sld [smem:$0x3FDB];
	_ =	sdelay $0x1  }
0x99: {  	s19 =	simm.s32 $_scs_section_size  }
0x9a: {  	s4 =	simm.s32 $_size__tile_overlayer_lowered;
	s5 =	simm.s32 $_tile_overlayer_lowered  }
0x9b: {  	s22 =	simm.s32 $0x1BFF;
	s21 =	sshll.u32 s5, $0x1;
	s2 =	sadd.s32 s19, s18  }
0x9c: {  	s6 =	simm.s32 $0x0;
	s20 =	sshll.u32 s4, $0x1;
	s4 =	sadd.s32 s21, s2  }
0x9d: {  	[timem:s6], [sflag:s22] =	dma.local [hbm:s4], s20  }
0x9e: {  	_ =	swait.ge [sflag:s22], s20  }
0x9f: {  	s3 =	ssub.s32 $0x0, s20;
	[sflag:s22] =	ssyncset.done $0x0  }
0xa0: {  	[sflag:s22] =	ssyncadd.s32 s3;
	_ =	sdelay $0x1  }
0xa1: {  	s23 =	simm.s32 $0x1B8B  }
0xa2: {  	_ =	swait.ge [sflag:s23], $0x1  }
0xa3: {  	[sflag:s23] =	ssyncset.done $0x0  }
0xa4: {  	s25 =	simm.s32 $0x1B8E;
	s24 =	sld [smem:$0x3FFE];
	[sflag:s23] =	ssyncadd.s32 $0xFFFFFFFF  }
0xa5: {  	s26 =	simm.s32 $execute0_lowered;
	[smem:$0x3FD2] =	sst s25  }
0xa6: {  	s4 =	sshll.u32 s26, $0x1;
	_ =	strace $0x80000046;
	[dreg:$0x1] =	wrdreg $0xFFFFFFFF  }
0xa7: {  	s28 =	simm.s32 $_size_execute0_lowered;
	s2 =	sadd.s32 s2, s4;
	[dreg:$0x0] =	wrdreg $0x0  }
0xa8: {  	s4 =	sshll.u32 s28, $0x1;
	[dreg:$0x2] =	wrdreg s2  }
0xa9: {  	[dreg:$0x3] =	wrdreg s4  }
0xaa: {  	[dreg:$0x4] =	wrdreg $0xC0  }
0xab: {  	_ =	task [dreg:s6], $0x5FFFF  }
0xac: {  	[dreg:$0x1] =	wrdreg $0xFFFFFFFF  }
0xad: {  	[dreg:$0x0] =	wrdreg $0x60  }
0xae: {  	[dreg:$0x2] =	wrdreg s24  }
0xaf: {  	[dreg:$0x3] =	wrdreg $0x6C000  }
0xb0: {  	[dreg:$0x4] =	wrdreg $0x9  }
0xb1: {  	_ =	task.clear_ibuf [dreg:s6], $0x5FFFF;
	_ =	strace $0x90000046  }
0xb2: {  	s29 =	simm.s32 $0x9;
	_ =	strace $0x80000048  }
0xb3: {  	_ =	swait.ge [sflag:s29], $0x1  }
0xb4: {  	[sflag:s29] =	ssyncadd.s32 $0xFFFFFFFF  }
0xb5: {  	_ =	strace $0x90000048  }
0xb6: {  	_ =	sfence  }
0xb7: {  	s30 =	sld [smem:$0x0];
	_ =	sdelay $0x2  }
0xb8: {  	s31 =	sshll.u32 s1, $0xD;
	s1 =	sshrl.u32 s1, $0x2  }
0xb9: {  	s3 =	sand.u32 $0x4000, s31;
	s1 =	sadd.s32 s1, s30  }
0xba: {  	s0 =	sor.u32 s3, s0;
	s1 =	sshll.u32 s1, $0x11  }
0xbb: {  	s0 =	sor.u32 s1, s0  }
0xbc: {  	s0 =	sadd.s32 $0x8F2B, s0  }
0xbd: {  	[sflag:s0] =	ssyncadd.remote.s32 $0x1  }
0xbe: {  	_ =	sfence.sel $0xFFFF  }
0xbf: {  	[dreg:$0x0] =	wrdreg $0xFFFFFFFF;
	(pc) =	sbr.abs _section_cstart, $3  }
0xc0: {  	[dreg:$0x1] =	wrdreg $0xFFFFFFFF  }
0xc1: {  	_ =	task.clear_ibuf [dreg:s6], $0x2FFFF;
	_ =	strace $0x9FFFFFFF  }
0xc2: {  	(tm) =	ssettm $0x7FFFFFFF  }
0xc3: {  	_ =	shalt  }
tec
execute0_lowered:
.L_overlay_start_1:
0x0: {  	(tag) =	ssettag $0x1  }
0x1: {  	s0 =	srdreg.scid;
	s5 =	rddreg [dreg:$0x0]  }
0x2: {  	s1 =	rddreg [dreg:$0x1];
	s8 =	stileid.u32  }
0x3: {  	s2 =	simm.s32 $0x0;
	s11 =	simm.s32 $0x80;
	s12 =	simm.s32 $0x100  }
0x4: {  	s13 =	simm.s32 $0x1;
	s4 =	sand.u32 $0x1, s0;
	s0 =	rddreg [dreg:$0x2]  }
0x5: {  	s14 =	simm.s32 $0x0;
	[smem:$0x7FF] =	sst s2;
	p0 =	sne.s32 s8, $0x0  }
0x6: {  	s3 =	sshll.u32 s4, $0x4;
	_ =	strace $0x80000047;
	s6 =	smul.u32 $0x27800, s4  }
0x7: {  	s9 =	ssub.s32 $0x2, s4;
	s4 =	sadd.s32 $0xCE00, s5;
	s3 =	sor.u32 s8, s3  }
0x8: {  	s10 =	sshrl.u32 @!p0 s1, $0x3;
	s31 =	sshrl.u32 s9, $0x1;
	s3 =	smul.u32 $0x580, s3  }
0x9: {  	s8 =	simm.s32 $0x2;
	s6 =	sadd.s32 s6, s5;
	s9 =	ssub.s32 s9, s31  }
0xa: {  	s6 =	sadd.s32 $0x34E00, s6;
	s7 =	sadd.s32 s3, s5;
	s3 =	sadd.s32 $0x34600, s5  }
0xb: {  	s5 =	sadd.s32 $0x1E00, s7;
	s7 =	smax.u32 s9, $0x1;
	s9 =	simm.s32 $0x2C00  }
.LBB2_1:
0xc: {  	[tilespmem:s2], [sflag:$0x2] =	stream.linear.gather [hbm4b:s5+s2], $0x2A00, $0x38;
	[tilespmem:$0x6E78] =	vst v63  }
0xd: {  	_ =	swait.ge [sflag:s8], $0x2A00  }
0xe: {  	[sflag:s8] =	ssyncset.done $0x0  }
0xf: {  	[sflag:s8] =	ssyncadd.s32 $0xFFFFD600  }
0x10: {  	[tilespmem:s9], [sflag:$0x2] =	stream.linear.gather [hbm4b:s3+s2], $0x4000, $0x38;
	[tilespmem:$0x6E78] =	vst v63  }
0x11: {  	_ =	swait.ge [sflag:s8], $0x4000  }
0x12: {  	[sflag:s8] =	ssyncset.done $0x0  }
0x13: {  	s15 =	simm.s32 @!p0 $0x1C02;
	[sflag:s8] =	ssyncadd.s32 $0xFFFFC000  }
0x14: {  	[spmem:s10], [sflag:s15] =	dma.local @!p0 [hbm:s4], $0x27800  }
0x15: {  	s15 =	simm.s32 @!p0 $0x2  }
0x16: {  	_ =	swait.ge @!p0 [sflag:s15], $0x27800  }
0x17: {  	[sflag:s15] =	ssyncset.done @!p0 $0x0  }
0x18: {  	[sflag:s15] =	ssyncadd.s32 @!p0 $0xFFFD8800  }
0x19: {  	[bflag:$0x0] =	sbarrier.arrive $0xFFFF  }
0x1a: {  	[spmem:s1] =	stream.indirect.scatter.add.f32 [tilespmem:s9], [sflag:$0x1], $0x1, s2, s11, $0xb8;
	[tilespmem:$0x6E78] =	vst v63  }
0x1b: {  	_ = 	snop  }
0x1c: {  	[spmem:s1] =	stream.indirect.scatter.add.f32 [tilespmem:s9], [sflag:$0x1], $0x1, s11, s11, $0xb8;
	[tilespmem:$0x6E78] =	vst v63  }
0x1d: {  	_ = 	snop  }
0x1e: {  	[spmem:s1] =	stream.indirect.scatter.add.f32 [tilespmem:s9], [sflag:$0x1], $0x1, s12, s11, $0xb8;
	[tilespmem:$0x6E78] =	vst v63  }
0x1f: {  	s31 =	simm.s32 $0x180  }
0x20: {  	[spmem:s1] =	stream.indirect.scatter.add.f32 [tilespmem:s9], [sflag:$0x1], $0x1, s31, s11, $0xb8;
	[tilespmem:$0x6E78] =	vst v63  }
0x21: {  	_ =	swait.ge [sflag:s13], $0x80  }
0x22: {  	s15 =	simm.s32 $0x800;
	[sflag:s13] =	ssyncset.done $0x0  }
.LBB2_2:
0x23: {  	s16 =	sshra.s32 s15, $0x2;
	[sflag:s13] =	ssyncadd.s32 $0xFFFFFF80;
	p1 =	sne.s32 s15, $0xA600  }
0x24: {  	[spmem:s1] =	stream.indirect.scatter.add.f32 [tilespmem:s9], [sflag:$0x1], $0x1, s16, s11, $0xb8;
	[tilespmem:$0x6E78] =	vst v63  }
.Ltmp0:
0x25: {  	_ = 	snop;
	(pc) =	sbr.rel @p1 .LBB2_2-.Ltmp0, $4  }
0x26: {  	_ = 	snop  }
0x27: {  	s15 =	sadd.s32 $0x200, s15  }
0x28: {  	_ =	swait.ge [sflag:s13], $0x80  }
0x29: {  	[sflag:s13] =	ssyncset.done $0x0  }
0x2a: {  	[sflag:s13] =	ssyncadd.s32 $0xFFFFFF80  }
0x2b: {  	_ =	swait.ge [sflag:s13], $0x80  }
0x2c: {  	[sflag:s13] =	ssyncset.done $0x0  }
0x2d: {  	[sflag:s13] =	ssyncadd.s32 $0xFFFFFF80  }
0x2e: {  	_ =	swait.ge [sflag:s13], $0x80  }
0x2f: {  	[sflag:s13] =	ssyncset.done $0x0  }
0x30: {  	[sflag:s13] =	ssyncadd.s32 $0xFFFFFF80  }
0x31: {  	_ =	swait.ge [sflag:s13], $0x80  }
0x32: {  	[sflag:s13] =	ssyncset.done $0x0  }
0x33: {  	s14 =	sadd.s32 $0x1, s14;
	[sflag:s13] =	ssyncadd.s32 $0xFFFFFF80  }
0x34: {  	s15 =	simm.s32 @!p0 $0x1C02;
	p1 =	sne.s32 s14, s7;
	[bflag:$0x0] =	sbarrier.arrive $0xFFFF  }
0x35: {  	[hbm:s6], [sflag:s15] =	dma.local @!p0 [spmem:s10], $0x27800  }
.Ltmp1:
0x36: {  	_ = 	snop;
	(pc) =	sbr.rel @p1 .LBB2_1-.Ltmp1, $4  }
0x37: {  	s15 =	simm.s32 @!p0 $0x2  }
0x38: {  	_ =	swait.ge @!p0 [sflag:s15], $0x27800  }
0x39: {  	[sflag:s15] =	ssyncset.done @!p0 $0x0  }
0x3a: {  	[sflag:s15] =	ssyncadd.s32 @!p0 $0xFFFD8800  }
0x3b: {  	_ =	sfence.sel $0x180000  }
0x3c: {  	[bflag:$0x0] =	sbarrier.arrive $0xFFFF  }
0x3d: {  	_ =	strace $0x90000047  }
0x3e: {  	s0 =	sadd.s32 @!p0 $0x100000, s0;
	[bflag:$0x2] =	sbarrier.arrive $0xFFFF  }
0x3f: {  	[sflag:s0] =	ssyncadd.tile.s32 @!p0 $0x1;
	_ =	shalt  }
.Lfunc_end2:
_tile_overlayer_lowered:
.L_overlay_start_2:
0x40: {  	(tag) =	ssettag $0x2  }
0x41: {  	s0 =	rddreg [dreg:$0x0];
	s2 =	stileid.u32  }
0x42: {  	s1 =	rddreg [dreg:$0x1];
	p0 =	sne.s32 s2, $0x0  }
0x43: {  	s3 =	rddreg [dreg:$0x2];
	[bflag:$0x3] =	sbarrier.arrive $0xFFFF;
	s2 =	simm.s32 @!p0 $0x1C02  }
0x44: {  	[timem:s3], [sflag:s2] =	dma.local @!p0 [hbm:s0], s1  }
0x45: {  	s0 =	simm.s32 @!p0 $0x2  }
0x46: {  	_ =	swait.ge @!p0 [sflag:s0], s1  }
0x47: {  	s1 =	ssub.s32 @!p0 $0x0, s1;
	[sflag:s0] =	ssyncset.done @!p0 $0x0  }
0x48: {  	[sflag:s0] =	ssyncadd.s32 @!p0 s1  }
0x49: {  	[bflag:$0x3] =	sbarrier.arrive $0xFFFF  }
0x4a: {  	_ =	shalt  }

</sc_bundles>
